<compile_context>
chip_gen: v7x
topology: tpu7x:2x2x1
jax: 0.10.2.dev20260603
libtpu: 0.0.44.dev20260713+nightly
codegen_flags: <defaults>
</compile_context>

<pallas_src>
import functools
import math

import jax
import jax.numpy as jnp
from jax import lax
from jax.experimental import pallas as pl
from jax.experimental.pallas import tpu as pltpu
from jax.experimental.pallas import tpu_sc as plsc

N_NODES = 10000
N_EDGES = 320000
D_FEAT = 128
D_ATTR = 16
INV_SQRT_AVG = 1.0 / math.sqrt(32.0)

NC = 2
NS = 16
B_IDX = 128
NRING = 3
N_BLOCKS = N_EDGES // B_IDX
HI_TILES = 4
ROWS_PER_TILE = 624
TAIL_ROWS = N_NODES - NS * ROWS_PER_TILE
ZROWS = 208


def _sc_segment_sum(edge_message, edge_dst):
    mesh = plsc.VectorSubcoreMesh(
        core_axis_name="c", subcore_axis_name="s", num_cores=NC,
        num_subcores=NS)

    @functools.partial(
        pl.kernel,
        out_type=jax.ShapeDtypeStruct((NC * N_NODES, D_FEAT), jnp.float32),
        mesh=mesh,
        scratch_types=[
            pltpu.VMEM_SHARED((N_NODES, D_FEAT), jnp.float32),
            pltpu.VMEM((NRING, B_IDX, D_FEAT), jnp.float32),
            pltpu.VMEM((NRING, 2, B_IDX), jnp.int32),
            pltpu.SemaphoreType.DMA((NRING,)),
            pltpu.SemaphoreType.DMA((NRING,)),
            pltpu.SemaphoreType.DMA((NRING,)),
        ],
    )
    def k(msg_hbm, idx_hbm, out_hbm, acc, rows_v, idxg,
          ldi_sem, ldr_sem, scat_sem):
        c = lax.axis_index("c")
        s = lax.axis_index("s")
        wid = c * NS + s
        blk_start = 78 * wid + jnp.minimum(wid, HI_TILES)
        n_blk = jnp.where(wid < HI_TILES, 79, 78)

        def slot(i):
            return lax.rem(i, NRING)

        def issue_load(i, b):
            base = (blk_start + i) * B_IDX
            pltpu.async_copy(idx_hbm.at[pl.ds(0, 2), pl.ds(base, B_IDX)],
                             idxg.at[b], ldi_sem.at[b])
            pltpu.async_copy(msg_hbm.at[pl.ds(base, B_IDX)], rows_v.at[b],
                             ldr_sem.at[b])

        def wait_load(i, b):
            base = (blk_start + i) * B_IDX
            pltpu.make_async_copy(
                idx_hbm.at[pl.ds(0, 2), pl.ds(base, B_IDX)],
                idxg.at[b], ldi_sem.at[b]).wait()
            pltpu.make_async_copy(msg_hbm.at[pl.ds(base, B_IDX)],
                                  rows_v.at[b], ldr_sem.at[b]).wait()

        def issue_scat(b):
            pltpu.async_copy(rows_v.at[b], acc.at[idxg.at[b, 1]],
                             scat_sem.at[b], add=True)

        def wait_scat(b):
            pltpu.make_async_copy(rows_v.at[b], acc.at[idxg.at[b, 1]],
                                  scat_sem.at[b]).wait()

        for i in range(NRING - 1):
            issue_load(i, i)

        def zero_store(i, _):
            r = i // 8
            col = (i % 8) * 16
            rows_v[NRING - 1, r, pl.ds(col, 16)] = jnp.zeros(
                (16,), jnp.float32)
            return 0
        lax.fori_loop(0, B_IDX * 8, zero_store, 0)
        zsrc = rows_v.at[NRING - 1]
        for z in range(ROWS_PER_TILE // B_IDX):
            pltpu.sync_copy(
                zsrc, acc.at[pl.ds(s * ROWS_PER_TILE + z * B_IDX, B_IDX)])
        rem = ROWS_PER_TILE - (ROWS_PER_TILE // B_IDX) * B_IDX
        pltpu.sync_copy(
            zsrc.at[pl.ds(0, rem)],
            acc.at[pl.ds(s * ROWS_PER_TILE + ROWS_PER_TILE - rem, rem)])

        @pl.when(s == NS - 1)
        def _zero_tail():
            pltpu.sync_copy(zsrc.at[pl.ds(0, TAIL_ROWS)],
                            acc.at[pl.ds(NS * ROWS_PER_TILE, TAIL_ROWS)])
        plsc.subcore_barrier()

        def block_body(i, _):
            b = slot(i)
            nxt = i + NRING - 1
            bn = slot(nxt)

            @pl.when(nxt < n_blk)
            def _issue_next():
                @pl.when(i >= 1)
                def _wait_prev_scat():
                    wait_scat(bn)
                issue_load(nxt, bn)
            wait_load(i, b)
            issue_scat(b)
            return 0
        lax.fori_loop(0, n_blk, block_body, 0)
        for b in range(NRING):
            wait_scat(b)
        plsc.subcore_barrier()

        out_base = c * N_NODES + s * ROWS_PER_TILE
        pltpu.sync_copy(acc.at[pl.ds(s * ROWS_PER_TILE, ROWS_PER_TILE)],
                        out_hbm.at[pl.ds(out_base, ROWS_PER_TILE)])

        @pl.when(s == NS - 1)
        def _drain_tail():
            pltpu.sync_copy(
                acc.at[pl.ds(NS * ROWS_PER_TILE, TAIL_ROWS)],
                out_hbm.at[pl.ds(c * N_NODES + NS * ROWS_PER_TILE,
                                 TAIL_ROWS)])

    return k(edge_message, edge_dst)


def _tc_update(partials, node_attrs, W_tp, W_lin):
    R = 2000
    nblk = N_NODES // R

    def body(p0_ref, p1_ref, attrs_ref, wtp_ref, wlin_ref, out_ref):
        m = (p0_ref[...] + p1_ref[...]) * INV_SQRT_AVG
        a = lax.dot_general(attrs_ref[...], wtp_ref[...],
                            (((1,), (1,)), ((), ())),
                            preferred_element_type=jnp.float32)
        f = m * a
        f = lax.dot_general(f, wlin_ref[...], (((1,), (0,)), ((), ())),
                            preferred_element_type=jnp.float32)
        out_ref[...] = f * jax.nn.sigmoid(f)

    return pl.pallas_call(
        body,
        grid=(nblk,),
        in_specs=[
            pl.BlockSpec((R, D_FEAT), lambda i: (i, 0)),
            pl.BlockSpec((R, D_FEAT), lambda i: (i + nblk, 0)),
            pl.BlockSpec((R, D_ATTR), lambda i: (i, 0)),
            pl.BlockSpec((D_FEAT, D_ATTR), lambda i: (0, 0)),
            pl.BlockSpec((D_FEAT, D_FEAT), lambda i: (0, 0)),
        ],
        out_specs=pl.BlockSpec((R, D_FEAT), lambda i: (i, 0)),
        out_shape=jax.ShapeDtypeStruct((N_NODES, D_FEAT), jnp.float32),
    )(partials, partials, node_attrs, W_tp, W_lin)


def kernel(node_feats, node_attrs, edge_message, edge_index, W_tp, W_lin):
    del node_feats
    partials = _sc_segment_sum(edge_message, edge_index)
    return _tc_update(partials, node_attrs, W_tp, W_lin)

# --- scband reference (transcript-rebuilt; emitter-appended) ---
"""Pipeline reference for scband-segnnupdate-30915174596962 (READ-ONLY COPY).

The authoritative reference and input builder live on the scoring server;
editing this copy changes nothing except your own understanding.
"""

import jax, jax.numpy as jnp
import numpy as np

N_NODES = 10000
N_EDGES = 320000
D_FEAT = 128
D_ATTR = 16
AVG_NUM_NEIGHBORS = 32.0


def setup_inputs(seed: int = 0) -> dict:
    key = jax.random.key(seed)
    k0, k1, k2, k3, k4, k5 = jax.random.split(key, 6)
    node_feats = jax.random.normal(k0, (N_NODES, D_FEAT), dtype=jnp.float32)
    node_attrs = jax.random.normal(k1, (N_NODES, D_ATTR), dtype=jnp.float32)
    edge_message = jax.random.normal(k2, (N_EDGES, D_FEAT), dtype=jnp.float32)
    edge_index = jax.random.randint(k3, (2, N_EDGES), 0, N_NODES)
    # Learned params (all-scalar irreps instantiation):
    # UVUTensorProduct with internal shared weights: one weight per (u, v) path
    W_tp = jax.random.normal(k4, (D_FEAT, D_ATTR), dtype=jnp.float32) / np.sqrt(D_ATTR)
    # linear_3: Linear on 128x0e -> 128x0e
    W_lin = jax.random.normal(k5, (D_FEAT, D_FEAT), dtype=jnp.float32) / np.sqrt(D_FEAT)
    return {
        "node_feats": node_feats,
        "node_attrs": node_attrs,
        "edge_message": edge_message,
        "edge_index": edge_index,
        "W_tp": W_tp,
        "W_lin": W_lin,
    }


def reference(node_feats, node_attrs, edge_message, edge_index, W_tp, W_lin):
    # SEGNNUpdate.forward with all-scalar (l=0) irreps.
    N = node_feats.shape[0]
    edge_dst = edge_index[1]
    # scatter: aggregate edge messages to destination nodes
    msg = jax.ops.segment_sum(edge_message, edge_dst, num_segments=N)
    # divide by sqrt(avg_num_neighbors)
    msg = msg / jnp.sqrt(AVG_NUM_NEIGHBORS)
    # update_tp: UVU tensor product msg (128x0e) x node_attrs (16x0e) -> 128x0e
    # out[n, u] = msg[n, u] * sum_v W_tp[u, v] * node_attrs[n, v]
    feats = msg * (node_attrs @ W_tp.T)
    # linear_3
    feats = feats @ W_lin
    # update_activation: gate on all-scalar irreps reduces to elementwise SiLU
    feats = jax.nn.silu(feats)
    return feats

if __name__ == "__main__":
    import jax
    _d = setup_inputs()
    print(jax.jit(kernel)(*tuple(_d.values())))

</pallas_src>

<mosaic_0001>
#map = affine_map<(d0, d1) -> (0, 0)>
module attributes {stable_mosaic.version = 14 : i64} {
  func.func @k(%arg0: i32, %arg1: i32, %arg2: memref<320000x128xf32, #tpu.memory_space<hbm>>, %arg3: memref<2x320000xi32, #tpu.memory_space<hbm>>, %arg4: memref<20000x128xf32, #tpu.memory_space<hbm>>, %arg5: memref<10000x128xf32, #tpu.memory_space<vmem_shared>>, %arg6: memref<3x128x128xf32, #tpu.memory_space<vmem>>, %arg7: memref<3x2x128xi32, #tpu.memory_space<vmem>>, %arg8: memref<3x!tpu.dma_semaphore, #tpu.memory_space<semaphore_mem>>, %arg9: memref<3x!tpu.dma_semaphore, #tpu.memory_space<semaphore_mem>>, %arg10: memref<3x!tpu.dma_semaphore, #tpu.memory_space<semaphore_mem>>) attributes {dimension_semantics = [#tpu.dimension_semantics<core_parallel>, #tpu.dimension_semantics<subcore_parallel>], iteration_bounds = array<i64: 2, 16>, scalar_prefetch = 0 : i64, scratch_operands = 6 : i64, tpu.core_type = #tpu.core_type<sc_vector_subcore>, window_params = [{transform_indices = #map}, {transform_indices = #map}, {transform_indices = #map}]} {
    %mul3A = arith.constant 16 : i32
    %mul3A_0 = arith.muli %arg0, %mul3A : i32
    %add3A = arith.addi %mul3A_0, %arg1 : i32
    %mul3A_1 = arith.constant 78 : i32
    %mul3A_2 = arith.muli %mul3A_1, %add3A : i32
    %min3A = arith.constant 4 : i32
    %min3A_3 = arith.minsi %add3A, %min3A : i32
    %add3A_4 = arith.addi %mul3A_2, %min3A_3 : i32
    %lt3A = arith.constant 4 : i32
    %lt3A_5 = arith.cmpi slt, %add3A, %lt3A : i32
    %jit3A = arith.constant 79 : i32
    %jit3A_6 = arith.constant 78 : i32
    %select_n3A = arith.select %lt3A_5, %jit3A, %jit3A_6 : i32
    %add3A_7 = arith.constant 0 : i32
    %add3A_8 = arith.addi %add3A_4, %add3A_7 : i32
    %mul3A_9 = arith.constant 128 : i32
    %mul3A_10 = arith.muli %add3A_8, %mul3A_9 : i32
    %dma_start3A = arith.constant 0 : i32
    %dma_start3A_11 = arith.constant 0 : i32
    %dma_start3A_12 = arith.constant 0 : i32
    %dma_start3A_13 = arith.constant 0 : i32
    %dma_start3A_14 = tpu.memref_slice %arg7[%dma_start3A, %dma_start3A_12, %dma_start3A_13] : memref<3x2x128xi32, #tpu.memory_space<vmem>> -> memref<1x2x128xi32, #tpu.memory_space<vmem>>
    %dma_start3A_15 = tpu.memref_squeeze %dma_start3A_14 : memref<1x2x128xi32, #tpu.memory_space<vmem>> -> memref<2x128xi32, #tpu.memory_space<vmem>>
    %dma_start3A_16 = arith.constant 0 : i32
    %dma_start3A_17 = tpu.memref_slice %arg3[%dma_start3A_16, %mul3A_10] : memref<2x320000xi32, #tpu.memory_space<hbm>> -> memref<2x128xi32, #tpu.memory_space<hbm>>
    %dma_start3A_18 = tpu.memref_slice %arg8[%dma_start3A_11] : memref<3x!tpu.dma_semaphore, #tpu.memory_space<semaphore_mem>> -> memref<1x!tpu.dma_semaphore, #tpu.memory_space<semaphore_mem>>
    %dma_start3A_19 = tpu.memref_squeeze %dma_start3A_18 : memref<1x!tpu.dma_semaphore, #tpu.memory_space<semaphore_mem>> -> memref<!tpu.dma_semaphore, #tpu.memory_space<semaphore_mem>>
    %dma_start3A_20 = arith.constant 0 : i32
    %dma_start3A_21 = arith.constant 0 : i32
    %dma_start3A_22 = tpu.memref_slice %arg7[%dma_start3A, %dma_start3A_20, %dma_start3A_21] : memref<3x2x128xi32, #tpu.memory_space<vmem>> -> memref<1x2x128xi32, #tpu.memory_space<vmem>>
    %dma_start3A_23 = tpu.memref_squeeze %dma_start3A_22 : memref<1x2x128xi32, #tpu.memory_space<vmem>> -> memref<2x128xi32, #tpu.memory_space<vmem>>
    %dma_start3A_24 = arith.constant 0 : i32
    %dma_start3A_25 = tpu.memref_slice %arg3[%dma_start3A_24, %mul3A_10] : memref<2x320000xi32, #tpu.memory_space<hbm>> -> memref<2x128xi32, #tpu.memory_space<hbm>>
    tpu.enqueue_dma source(%dma_start3A_25 : memref<2x128xi32, #tpu.memory_space<hbm>>) target(%dma_start3A_23 : memref<2x128xi32, #tpu.memory_space<vmem>>) target_semaphore(%dma_start3A_19 : memref<!tpu.dma_semaphore, #tpu.memory_space<semaphore_mem>>)
    %dma_start3A_26 = arith.constant 0 : i32
    %dma_start3A_27 = arith.constant 0 : i32
    %dma_start3A_28 = arith.constant 0 : i32
    %dma_start3A_29 = arith.constant 0 : i32
    %dma_start3A_30 = tpu.memref_slice %arg6[%dma_start3A_26, %dma_start3A_28, %dma_start3A_29] : memref<3x128x128xf32, #tpu.memory_space<vmem>> -> memref<1x128x128xf32, #tpu.memory_space<vmem>>
    %dma_start3A_31 = tpu.memref_squeeze %dma_start3A_30 : memref<1x128x128xf32, #tpu.memory_space<vmem>> -> memref<128x128xf32, #tpu.memory_space<vmem>>
    %dma_start3A_32 = arith.constant 0 : i32
    %dma_start3A_33 = tpu.memref_slice %arg2[%mul3A_10, %dma_start3A_32] : memref<320000x128xf32, #tpu.memory_space<hbm>> -> memref<128x128xf32, #tpu.memory_space<hbm>>
    %dma_start3A_34 = tpu.memref_slice %arg9[%dma_start3A_27] : memref<3x!tpu.dma_semaphore, #tpu.memory_space<semaphore_mem>> -> memref<1x!tpu.dma_semaphore, #tpu.memory_space<semaphore_mem>>
    %dma_start3A_35 = tpu.memref_squeeze %dma_start3A_34 : memref<1x!tpu.dma_semaphore, #tpu.memory_space<semaphore_mem>> -> memref<!tpu.dma_semaphore, #tpu.memory_space<semaphore_mem>>
    %dma_start3A_36 = arith.constant 0 : i32
    %dma_start3A_37 = arith.constant 0 : i32
    %dma_start3A_38 = tpu.memref_slice %arg6[%dma_start3A_26, %dma_start3A_36, %dma_start3A_37] : memref<3x128x128xf32, #tpu.memory_space<vmem>> -> memref<1x128x128xf32, #tpu.memory_space<vmem>>
    %dma_start3A_39 = tpu.memref_squeeze %dma_start3A_38 : memref<1x128x128xf32, #tpu.memory_space<vmem>> -> memref<128x128xf32, #tpu.memory_space<vmem>>
    %dma_start3A_40 = arith.constant 0 : i32
    %dma_start3A_41 = tpu.memref_slice %arg2[%mul3A_10, %dma_start3A_40] : memref<320000x128xf32, #tpu.memory_space<hbm>> -> memref<128x128xf32, #tpu.memory_space<hbm>>
    tpu.enqueue_dma source(%dma_start3A_41 : memref<128x128xf32, #tpu.memory_space<hbm>>) target(%dma_start3A_39 : memref<128x128xf32, #tpu.memory_space<vmem>>) target_semaphore(%dma_start3A_35 : memref<!tpu.dma_semaphore, #tpu.memory_space<semaphore_mem>>)
    %add3A_42 = arith.constant 1 : i32
    %add3A_43 = arith.addi %add3A_4, %add3A_42 : i32
    %mul3A_44 = arith.constant 128 : i32
    %mul3A_45 = arith.muli %add3A_43, %mul3A_44 : i32
    %dma_start3A_46 = arith.constant 1 : i32
    %dma_start3A_47 = arith.constant 1 : i32
    %dma_start3A_48 = arith.constant 0 : i32
    %dma_start3A_49 = arith.constant 0 : i32
    %dma_start3A_50 = tpu.memref_slice %arg7[%dma_start3A_46, %dma_start3A_48, %dma_start3A_49] : memref<3x2x128xi32, #tpu.memory_space<vmem>> -> memref<1x2x128xi32, #tpu.memory_space<vmem>>
    %dma_start3A_51 = tpu.memref_squeeze %dma_start3A_50 : memref<1x2x128xi32, #tpu.memory_space<vmem>> -> memref<2x128xi32, #tpu.memory_space<vmem>>
    %dma_start3A_52 = arith.constant 0 : i32
    %dma_start3A_53 = tpu.memref_slice %arg3[%dma_start3A_52, %mul3A_45] : memref<2x320000xi32, #tpu.memory_space<hbm>> -> memref<2x128xi32, #tpu.memory_space<hbm>>
    %dma_start3A_54 = tpu.memref_slice %arg8[%dma_start3A_47] : memref<3x!tpu.dma_semaphore, #tpu.memory_space<semaphore_mem>> -> memref<1x!tpu.dma_semaphore, #tpu.memory_space<semaphore_mem>>
    %dma_start3A_55 = tpu.memref_squeeze %dma_start3A_54 : memref<1x!tpu.dma_semaphore, #tpu.memory_space<semaphore_mem>> -> memref<!tpu.dma_semaphore, #tpu.memory_space<semaphore_mem>>
    %dma_start3A_56 = arith.constant 0 : i32
    %dma_start3A_57 = arith.constant 0 : i32
    %dma_start3A_58 = tpu.memref_slice %arg7[%dma_start3A_46, %dma_start3A_56, %dma_start3A_57] : memref<3x2x128xi32, #tpu.memory_space<vmem>> -> memref<1x2x128xi32, #tpu.memory_space<vmem>>
    %dma_start3A_59 = tpu.memref_squeeze %dma_start3A_58 : memref<1x2x128xi32, #tpu.memory_space<vmem>> -> memref<2x128xi32, #tpu.memory_space<vmem>>
    %dma_start3A_60 = arith.constant 0 : i32
    %dma_start3A_61 = tpu.memref_slice %arg3[%dma_start3A_60, %mul3A_45] : memref<2x320000xi32, #tpu.memory_space<hbm>> -> memref<2x128xi32, #tpu.memory_space<hbm>>
    tpu.enqueue_dma source(%dma_start3A_61 : memref<2x128xi32, #tpu.memory_space<hbm>>) target(%dma_start3A_59 : memref<2x128xi32, #tpu.memory_space<vmem>>) target_semaphore(%dma_start3A_55 : memref<!tpu.dma_semaphore, #tpu.memory_space<semaphore_mem>>)
    %dma_start3A_62 = arith.constant 1 : i32
    %dma_start3A_63 = arith.constant 1 : i32
    %dma_start3A_64 = arith.constant 0 : i32
    %dma_start3A_65 = arith.constant 0 : i32
    %dma_start3A_66 = tpu.memref_slice %arg6[%dma_start3A_62, %dma_start3A_64, %dma_start3A_65] : memref<3x128x128xf32, #tpu.memory_space<vmem>> -> memref<1x128x128xf32, #tpu.memory_space<vmem>>
    %dma_start3A_67 = tpu.memref_squeeze %dma_start3A_66 : memref<1x128x128xf32, #tpu.memory_space<vmem>> -> memref<128x128xf32, #tpu.memory_space<vmem>>
    %dma_start3A_68 = arith.constant 0 : i32
    %dma_start3A_69 = tpu.memref_slice %arg2[%mul3A_45, %dma_start3A_68] : memref<320000x128xf32, #tpu.memory_space<hbm>> -> memref<128x128xf32, #tpu.memory_space<hbm>>
    %dma_start3A_70 = tpu.memref_slice %arg9[%dma_start3A_63] : memref<3x!tpu.dma_semaphore, #tpu.memory_space<semaphore_mem>> -> memref<1x!tpu.dma_semaphore, #tpu.memory_space<semaphore_mem>>
    %dma_start3A_71 = tpu.memref_squeeze %dma_start3A_70 : memref<1x!tpu.dma_semaphore, #tpu.memory_space<semaphore_mem>> -> memref<!tpu.dma_semaphore, #tpu.memory_space<semaphore_mem>>
    %dma_start3A_72 = arith.constant 0 : i32
    %dma_start3A_73 = arith.constant 0 : i32
    %dma_start3A_74 = tpu.memref_slice %arg6[%dma_start3A_62, %dma_start3A_72, %dma_start3A_73] : memref<3x128x128xf32, #tpu.memory_space<vmem>> -> memref<1x128x128xf32, #tpu.memory_space<vmem>>
    %dma_start3A_75 = tpu.memref_squeeze %dma_start3A_74 : memref<1x128x128xf32, #tpu.memory_space<vmem>> -> memref<128x128xf32, #tpu.memory_space<vmem>>
    %dma_start3A_76 = arith.constant 0 : i32
    %dma_start3A_77 = tpu.memref_slice %arg2[%mul3A_45, %dma_start3A_76] : memref<320000x128xf32, #tpu.memory_space<hbm>> -> memref<128x128xf32, #tpu.memory_space<hbm>>
    tpu.enqueue_dma source(%dma_start3A_77 : memref<128x128xf32, #tpu.memory_space<hbm>>) target(%dma_start3A_75 : memref<128x128xf32, #tpu.memory_space<vmem>>) target_semaphore(%dma_start3A_71 : memref<!tpu.dma_semaphore, #tpu.memory_space<semaphore_mem>>)
    %scan3A = arith.constant 0 : i32
    %scan3A_78 = arith.constant 0 : i32
    %scan3A_79 = arith.constant 1024 : i32
    %scan3A_80 = arith.addi %scan3A_78, %scan3A_79 : i32
    %scan3A_81 = arith.constant 1 : i32
    %scan3A_82 = scf.for %scan3A_183 = %scan3A_78 to %scan3A_80 step %scan3A_81 iter_args(%scan3A_184 = %scan3A) -> (i32)  : i32 {
      %jit3A_185 = arith.constant 8 : i32
      %div3A = arith.divsi %scan3A_183, %jit3A_185 : i32
      %sign3A = arith.constant 0 : i32
      %sign3A_186 = arith.cmpi sgt, %scan3A_183, %sign3A : i32
      %sign3A_187 = arith.extui %sign3A_186 : i1 to i32
      %sign3A_188 = arith.constant 0 : i32
      %sign3A_189 = arith.cmpi slt, %scan3A_183, %sign3A_188 : i32
      %sign3A_190 = arith.extui %sign3A_189 : i1 to i32
      %sign3A_191 = arith.subi %sign3A_187, %sign3A_190 : i32
      %sign3A_192 = arith.constant 0 : i32
      %sign3A_193 = arith.cmpi sgt, %jit3A_185, %sign3A_192 : i32
      %sign3A_194 = arith.extui %sign3A_193 : i1 to i32
      %sign3A_195 = arith.constant 0 : i32
      %sign3A_196 = arith.cmpi slt, %jit3A_185, %sign3A_195 : i32
      %sign3A_197 = arith.extui %sign3A_196 : i1 to i32
      %sign3A_198 = arith.subi %sign3A_194, %sign3A_197 : i32
      %ne3A = arith.cmpi ne, %sign3A_191, %sign3A_198 : i32
      %rem3A = arith.remsi %scan3A_183, %jit3A_185 : i32
      %ne3A_199 = arith.constant 0 : i32
      %ne3A_200 = arith.cmpi ne, %rem3A, %ne3A_199 : i32
      %and3A = arith.andi %ne3A, %ne3A_200 : i1
      %sub3A_201 = arith.constant 1 : i32
      %sub3A_202 = arith.subi %div3A, %sub3A_201 : i32
      %select_n3A_203 = arith.select %and3A, %sub3A_202, %div3A : i32
      %jit3A_204 = arith.constant 8 : i32
      %eq3A_205 = arith.constant 0 : i32
      %eq3A_206 = arith.cmpi eq, %jit3A_204, %eq3A_205 : i32
      %jit3A_207 = arith.constant 1 : i32
      %select_n3A_208 = arith.select %eq3A_206, %jit3A_207, %jit3A_204 : i32
      %rem3A_209 = arith.remsi %scan3A_183, %select_n3A_208 : i32
      %ne3A_210 = arith.constant 0 : i32
      %ne3A_211 = arith.cmpi ne, %rem3A_209, %ne3A_210 : i32
      %lt3A_212 = arith.constant 0 : i32
      %lt3A_213 = arith.cmpi slt, %rem3A_209, %lt3A_212 : i32
      %lt3A_214 = arith.constant 0 : i32
      %lt3A_215 = arith.cmpi slt, %select_n3A_208, %lt3A_214 : i32
      %ne3A_216 = arith.xori %lt3A_213, %lt3A_215 : i1
      %and3A_217 = arith.andi %ne3A_216, %ne3A_211 : i1
      %add3A_218 = arith.addi %rem3A_209, %select_n3A_208 : i32
      %select_n3A_219 = arith.select %and3A_217, %add3A_218, %rem3A_209 : i32
      %mul3A_220 = arith.constant 16 : i32
      %mul3A_221 = arith.muli %select_n3A_219, %mul3A_220 : i32
      %broadcast_in_dim3A = arith.constant 0.000000e+00 : f32
      %broadcast_in_dim3A_222 = vector.broadcast %broadcast_in_dim3A : f32 to vector<16xf32>
      %swap3A = arith.constant 2 : i32
      %swap3A_223 = arith.index_cast %swap3A : i32 to index
      %swap3A_224 = arith.index_cast %select_n3A_203 : i32 to index
      %swap3A_225 = arith.index_cast %mul3A_221 : i32 to index
      %swap3A_226 = tpu.vector_load %arg6[%swap3A_223, %swap3A_224, %swap3A_225] {strides = array<i32>} : memref<3x128x128xf32, #tpu.memory_space<vmem>>, vector<1x1x16xf32>,
      %swap3A_227 = vector.shape_cast %swap3A_226 : vector<1x1x16xf32> to vector<16xf32>
      %swap3A_228 = vector.shape_cast %broadcast_in_dim3A_222 : vector<16xf32> to vector<1x1x16xf32>
      tpu.vector_store %arg6[%swap3A_223, %swap3A_224, %swap3A_225], %swap3A_228 {strides = array<i32>} : memref<3x128x128xf32, #tpu.memory_space<vmem>>, vector<1x1x16xf32>,
      %scan3A_229 = arith.constant 0 : i32
      scf.yield %scan3A_229 : i32
    }
    %scan3A_83 = arith.constant 1024 : i32
    %mul3A_84 = arith.constant 624 : i32
    %mul3A_85 = arith.muli %arg1, %mul3A_84 : i32
    %add3A_86 = arith.constant 0 : i32
    %add3A_87 = arith.addi %mul3A_85, %add3A_86 : i32
    %run_scoped3A = arith.constant 2 : i32
    "tpu.region"() ({
      %run_scoped3A_183 = tpu.sem_alloc : memref<!tpu.dma_semaphore, #tpu.memory_space<semaphore_mem>>
      %dma_start3A_184 = arith.constant 0 : i32
      %dma_start3A_185 = arith.constant 0 : i32
      %dma_start3A_186 = tpu.memref_slice %arg6[%run_scoped3A, %dma_start3A_184, %dma_start3A_185] : memref<3x128x128xf32, #tpu.memory_space<vmem>> -> memref<1x128x128xf32, #tpu.memory_space<vmem>>
      %dma_start3A_187 = tpu.memref_squeeze %dma_start3A_186 : memref<1x128x128xf32, #tpu.memory_space<vmem>> -> memref<128x128xf32, #tpu.memory_space<vmem>>
      %dma_start3A_188 = arith.constant 0 : i32
      %dma_start3A_189 = tpu.memref_slice %arg5[%add3A_87, %dma_start3A_188] : memref<10000x128xf32, #tpu.memory_space<vmem_shared>> -> memref<128x128xf32, #tpu.memory_space<vmem_shared>>
      %dma_start3A_190 = arith.constant 0 : i32
      %dma_start3A_191 = tpu.memref_slice %arg5[%add3A_87, %dma_start3A_190] : memref<10000x128xf32, #tpu.memory_space<vmem_shared>> -> memref<128x128xf32, #tpu.memory_space<vmem_shared>>
      %dma_start3A_192 = arith.constant 0 : i32
      %dma_start3A_193 = arith.constant 0 : i32
      %dma_start3A_194 = tpu.memref_slice %arg6[%run_scoped3A, %dma_start3A_192, %dma_start3A_193] : memref<3x128x128xf32, #tpu.memory_space<vmem>> -> memref<1x128x128xf32, #tpu.memory_space<vmem>>
      %dma_start3A_195 = tpu.memref_squeeze %dma_start3A_194 : memref<1x128x128xf32, #tpu.memory_space<vmem>> -> memref<128x128xf32, #tpu.memory_space<vmem>>
      tpu.enqueue_dma source(%dma_start3A_195 : memref<128x128xf32, #tpu.memory_space<vmem>>) target(%dma_start3A_191 : memref<128x128xf32, #tpu.memory_space<vmem_shared>>) target_semaphore(%run_scoped3A_183 : memref<!tpu.dma_semaphore, #tpu.memory_space<semaphore_mem>>)
      %dma_wait3A_196 = arith.constant 0 : i32
      %dma_wait3A_197 = arith.constant 0 : i32
      %dma_wait3A_198 = tpu.memref_slice %arg6[%run_scoped3A, %dma_wait3A_196, %dma_wait3A_197] : memref<3x128x128xf32, #tpu.memory_space<vmem>> -> memref<1x128x128xf32, #tpu.memory_space<vmem>>
      %dma_wait3A_199 = tpu.memref_squeeze %dma_wait3A_198 : memref<1x128x128xf32, #tpu.memory_space<vmem>> -> memref<128x128xf32, #tpu.memory_space<vmem>>
      %dma_wait3A_200 = arith.constant 0 : i32
      %dma_wait3A_201 = tpu.memref_slice %arg5[%add3A_87, %dma_wait3A_200] : memref<10000x128xf32, #tpu.memory_space<vmem_shared>> -> memref<128x128xf32, #tpu.memory_space<vmem_shared>>
      %dma_wait3A_202 = arith.constant 0 : i32
      %dma_wait3A_203 = tpu.memref_slice %arg5[%add3A_87, %dma_wait3A_202] : memref<10000x128xf32, #tpu.memory_space<vmem_shared>> -> memref<128x128xf32, #tpu.memory_space<vmem_shared>>
      %dma_wait3A_204 = arith.constant 0 : i32
      %dma_wait3A_205 = arith.constant 0 : i32
      %dma_wait3A_206 = tpu.memref_slice %arg6[%run_scoped3A, %dma_wait3A_204, %dma_wait3A_205] : memref<3x128x128xf32, #tpu.memory_space<vmem>> -> memref<1x128x128xf32, #tpu.memory_space<vmem>>
      %dma_wait3A_207 = tpu.memref_squeeze %dma_wait3A_206 : memref<1x128x128xf32, #tpu.memory_space<vmem>> -> memref<128x128xf32, #tpu.memory_space<vmem>>
      tpu.wait_dma2 semaphore(%run_scoped3A_183 : memref<!tpu.dma_semaphore, #tpu.memory_space<semaphore_mem>>) src(%dma_wait3A_207 : memref<128x128xf32, #tpu.memory_space<vmem>>) dst(%dma_wait3A_203 : memref<128x128xf32, #tpu.memory_space<vmem_shared>>)
      tpu.yield
    }) : () -> ()
    %mul3A_88 = arith.constant 624 : i32
    %mul3A_89 = arith.muli %arg1, %mul3A_88 : i32
    %add3A_90 = arith.constant 128 : i32
    %add3A_91 = arith.addi %mul3A_89, %add3A_90 : i32
    %run_scoped3A_92 = arith.constant 2 : i32
    "tpu.region"() ({
      %run_scoped3A_183 = tpu.sem_alloc : memref<!tpu.dma_semaphore, #tpu.memory_space<semaphore_mem>>
      %dma_start3A_184 = arith.constant 0 : i32
      %dma_start3A_185 = arith.constant 0 : i32
      %dma_start3A_186 = tpu.memref_slice %arg6[%run_scoped3A_92, %dma_start3A_184, %dma_start3A_185] : memref<3x128x128xf32, #tpu.memory_space<vmem>> -> memref<1x128x128xf32, #tpu.memory_space<vmem>>
      %dma_start3A_187 = tpu.memref_squeeze %dma_start3A_186 : memref<1x128x128xf32, #tpu.memory_space<vmem>> -> memref<128x128xf32, #tpu.memory_space<vmem>>
      %dma_start3A_188 = arith.constant 0 : i32
      %dma_start3A_189 = tpu.memref_slice %arg5[%add3A_91, %dma_start3A_188] : memref<10000x128xf32, #tpu.memory_space<vmem_shared>> -> memref<128x128xf32, #tpu.memory_space<vmem_shared>>
      %dma_start3A_190 = arith.constant 0 : i32
      %dma_start3A_191 = tpu.memref_slice %arg5[%add3A_91, %dma_start3A_190] : memref<10000x128xf32, #tpu.memory_space<vmem_shared>> -> memref<128x128xf32, #tpu.memory_space<vmem_shared>>
      %dma_start3A_192 = arith.constant 0 : i32
      %dma_start3A_193 = arith.constant 0 : i32
      %dma_start3A_194 = tpu.memref_slice %arg6[%run_scoped3A_92, %dma_start3A_192, %dma_start3A_193] : memref<3x128x128xf32, #tpu.memory_space<vmem>> -> memref<1x128x128xf32, #tpu.memory_space<vmem>>
      %dma_start3A_195 = tpu.memref_squeeze %dma_start3A_194 : memref<1x128x128xf32, #tpu.memory_space<vmem>> -> memref<128x128xf32, #tpu.memory_space<vmem>>
      tpu.enqueue_dma source(%dma_start3A_195 : memref<128x128xf32, #tpu.memory_space<vmem>>) target(%dma_start3A_191 : memref<128x128xf32, #tpu.memory_space<vmem_shared>>) target_semaphore(%run_scoped3A_183 : memref<!tpu.dma_semaphore, #tpu.memory_space<semaphore_mem>>)
      %dma_wait3A_196 = arith.constant 0 : i32
      %dma_wait3A_197 = arith.constant 0 : i32
      %dma_wait3A_198 = tpu.memref_slice %arg6[%run_scoped3A_92, %dma_wait3A_196, %dma_wait3A_197] : memref<3x128x128xf32, #tpu.memory_space<vmem>> -> memref<1x128x128xf32, #tpu.memory_space<vmem>>
      %dma_wait3A_199 = tpu.memref_squeeze %dma_wait3A_198 : memref<1x128x128xf32, #tpu.memory_space<vmem>> -> memref<128x128xf32, #tpu.memory_space<vmem>>
      %dma_wait3A_200 = arith.constant 0 : i32
      %dma_wait3A_201 = tpu.memref_slice %arg5[%add3A_91, %dma_wait3A_200] : memref<10000x128xf32, #tpu.memory_space<vmem_shared>> -> memref<128x128xf32, #tpu.memory_space<vmem_shared>>
      %dma_wait3A_202 = arith.constant 0 : i32
      %dma_wait3A_203 = tpu.memref_slice %arg5[%add3A_91, %dma_wait3A_202] : memref<10000x128xf32, #tpu.memory_space<vmem_shared>> -> memref<128x128xf32, #tpu.memory_space<vmem_shared>>
      %dma_wait3A_204 = arith.constant 0 : i32
      %dma_wait3A_205 = arith.constant 0 : i32
      %dma_wait3A_206 = tpu.memref_slice %arg6[%run_scoped3A_92, %dma_wait3A_204, %dma_wait3A_205] : memref<3x128x128xf32, #tpu.memory_space<vmem>> -> memref<1x128x128xf32, #tpu.memory_space<vmem>>
      %dma_wait3A_207 = tpu.memref_squeeze %dma_wait3A_206 : memref<1x128x128xf32, #tpu.memory_space<vmem>> -> memref<128x128xf32, #tpu.memory_space<vmem>>
      tpu.wait_dma2 semaphore(%run_scoped3A_183 : memref<!tpu.dma_semaphore, #tpu.memory_space<semaphore_mem>>) src(%dma_wait3A_207 : memref<128x128xf32, #tpu.memory_space<vmem>>) dst(%dma_wait3A_203 : memref<128x128xf32, #tpu.memory_space<vmem_shared>>)
      tpu.yield
    }) : () -> ()
    %mul3A_93 = arith.constant 624 : i32
    %mul3A_94 = arith.muli %arg1, %mul3A_93 : i32
    %add3A_95 = arith.constant 256 : i32
    %add3A_96 = arith.addi %mul3A_94, %add3A_95 : i32
    %run_scoped3A_97 = arith.constant 2 : i32
    "tpu.region"() ({
      %run_scoped3A_183 = tpu.sem_alloc : memref<!tpu.dma_semaphore, #tpu.memory_space<semaphore_mem>>
      %dma_start3A_184 = arith.constant 0 : i32
      %dma_start3A_185 = arith.constant 0 : i32
      %dma_start3A_186 = tpu.memref_slice %arg6[%run_scoped3A_97, %dma_start3A_184, %dma_start3A_185] : memref<3x128x128xf32, #tpu.memory_space<vmem>> -> memref<1x128x128xf32, #tpu.memory_space<vmem>>
      %dma_start3A_187 = tpu.memref_squeeze %dma_start3A_186 : memref<1x128x128xf32, #tpu.memory_space<vmem>> -> memref<128x128xf32, #tpu.memory_space<vmem>>
      %dma_start3A_188 = arith.constant 0 : i32
      %dma_start3A_189 = tpu.memref_slice %arg5[%add3A_96, %dma_start3A_188] : memref<10000x128xf32, #tpu.memory_space<vmem_shared>> -> memref<128x128xf32, #tpu.memory_space<vmem_shared>>
      %dma_start3A_190 = arith.constant 0 : i32
      %dma_start3A_191 = tpu.memref_slice %arg5[%add3A_96, %dma_start3A_190] : memref<10000x128xf32, #tpu.memory_space<vmem_shared>> -> memref<128x128xf32, #tpu.memory_space<vmem_shared>>
      %dma_start3A_192 = arith.constant 0 : i32
      %dma_start3A_193 = arith.constant 0 : i32
      %dma_start3A_194 = tpu.memref_slice %arg6[%run_scoped3A_97, %dma_start3A_192, %dma_start3A_193] : memref<3x128x128xf32, #tpu.memory_space<vmem>> -> memref<1x128x128xf32, #tpu.memory_space<vmem>>
      %dma_start3A_195 = tpu.memref_squeeze %dma_start3A_194 : memref<1x128x128xf32, #tpu.memory_space<vmem>> -> memref<128x128xf32, #tpu.memory_space<vmem>>
      tpu.enqueue_dma source(%dma_start3A_195 : memref<128x128xf32, #tpu.memory_space<vmem>>) target(%dma_start3A_191 : memref<128x128xf32, #tpu.memory_space<vmem_shared>>) target_semaphore(%run_scoped3A_183 : memref<!tpu.dma_semaphore, #tpu.memory_space<semaphore_mem>>)
      %dma_wait3A_196 = arith.constant 0 : i32
      %dma_wait3A_197 = arith.constant 0 : i32
      %dma_wait3A_198 = tpu.memref_slice %arg6[%run_scoped3A_97, %dma_wait3A_196, %dma_wait3A_197] : memref<3x128x128xf32, #tpu.memory_space<vmem>> -> memref<1x128x128xf32, #tpu.memory_space<vmem>>
      %dma_wait3A_199 = tpu.memref_squeeze %dma_wait3A_198 : memref<1x128x128xf32, #tpu.memory_space<vmem>> -> memref<128x128xf32, #tpu.memory_space<vmem>>
      %dma_wait3A_200 = arith.constant 0 : i32
      %dma_wait3A_201 = tpu.memref_slice %arg5[%add3A_96, %dma_wait3A_200] : memref<10000x128xf32, #tpu.memory_space<vmem_shared>> -> memref<128x128xf32, #tpu.memory_space<vmem_shared>>
      %dma_wait3A_202 = arith.constant 0 : i32
      %dma_wait3A_203 = tpu.memref_slice %arg5[%add3A_96, %dma_wait3A_202] : memref<10000x128xf32, #tpu.memory_space<vmem_shared>> -> memref<128x128xf32, #tpu.memory_space<vmem_shared>>
      %dma_wait3A_204 = arith.constant 0 : i32
      %dma_wait3A_205 = arith.constant 0 : i32
      %dma_wait3A_206 = tpu.memref_slice %arg6[%run_scoped3A_97, %dma_wait3A_204, %dma_wait3A_205] : memref<3x128x128xf32, #tpu.memory_space<vmem>> -> memref<1x128x128xf32, #tpu.memory_space<vmem>>
      %dma_wait3A_207 = tpu.memref_squeeze %dma_wait3A_206 : memref<1x128x128xf32, #tpu.memory_space<vmem>> -> memref<128x128xf32, #tpu.memory_space<vmem>>
      tpu.wait_dma2 semaphore(%run_scoped3A_183 : memref<!tpu.dma_semaphore, #tpu.memory_space<semaphore_mem>>) src(%dma_wait3A_207 : memref<128x128xf32, #tpu.memory_space<vmem>>) dst(%dma_wait3A_203 : memref<128x128xf32, #tpu.memory_space<vmem_shared>>)
      tpu.yield
    }) : () -> ()
    %mul3A_98 = arith.constant 624 : i32
    %mul3A_99 = arith.muli %arg1, %mul3A_98 : i32
    %add3A_100 = arith.constant 384 : i32
    %add3A_101 = arith.addi %mul3A_99, %add3A_100 : i32
    %run_scoped3A_102 = arith.constant 2 : i32
    "tpu.region"() ({
      %run_scoped3A_183 = tpu.sem_alloc : memref<!tpu.dma_semaphore, #tpu.memory_space<semaphore_mem>>
      %dma_start3A_184 = arith.constant 0 : i32
      %dma_start3A_185 = arith.constant 0 : i32
      %dma_start3A_186 = tpu.memref_slice %arg6[%run_scoped3A_102, %dma_start3A_184, %dma_start3A_185] : memref<3x128x128xf32, #tpu.memory_space<vmem>> -> memref<1x128x128xf32, #tpu.memory_space<vmem>>
      %dma_start3A_187 = tpu.memref_squeeze %dma_start3A_186 : memref<1x128x128xf32, #tpu.memory_space<vmem>> -> memref<128x128xf32, #tpu.memory_space<vmem>>
      %dma_start3A_188 = arith.constant 0 : i32
      %dma_start3A_189 = tpu.memref_slice %arg5[%add3A_101, %dma_start3A_188] : memref<10000x128xf32, #tpu.memory_space<vmem_shared>> -> memref<128x128xf32, #tpu.memory_space<vmem_shared>>
      %dma_start3A_190 = arith.constant 0 : i32
      %dma_start3A_191 = tpu.memref_slice %arg5[%add3A_101, %dma_start3A_190] : memref<10000x128xf32, #tpu.memory_space<vmem_shared>> -> memref<128x128xf32, #tpu.memory_space<vmem_shared>>
      %dma_start3A_192 = arith.constant 0 : i32
      %dma_start3A_193 = arith.constant 0 : i32
      %dma_start3A_194 = tpu.memref_slice %arg6[%run_scoped3A_102, %dma_start3A_192, %dma_start3A_193] : memref<3x128x128xf32, #tpu.memory_space<vmem>> -> memref<1x128x128xf32, #tpu.memory_space<vmem>>
      %dma_start3A_195 = tpu.memref_squeeze %dma_start3A_194 : memref<1x128x128xf32, #tpu.memory_space<vmem>> -> memref<128x128xf32, #tpu.memory_space<vmem>>
      tpu.enqueue_dma source(%dma_start3A_195 : memref<128x128xf32, #tpu.memory_space<vmem>>) target(%dma_start3A_191 : memref<128x128xf32, #tpu.memory_space<vmem_shared>>) target_semaphore(%run_scoped3A_183 : memref<!tpu.dma_semaphore, #tpu.memory_space<semaphore_mem>>)
      %dma_wait3A_196 = arith.constant 0 : i32
      %dma_wait3A_197 = arith.constant 0 : i32
      %dma_wait3A_198 = tpu.memref_slice %arg6[%run_scoped3A_102, %dma_wait3A_196, %dma_wait3A_197] : memref<3x128x128xf32, #tpu.memory_space<vmem>> -> memref<1x128x128xf32, #tpu.memory_space<vmem>>
      %dma_wait3A_199 = tpu.memref_squeeze %dma_wait3A_198 : memref<1x128x128xf32, #tpu.memory_space<vmem>> -> memref<128x128xf32, #tpu.memory_space<vmem>>
      %dma_wait3A_200 = arith.constant 0 : i32
      %dma_wait3A_201 = tpu.memref_slice %arg5[%add3A_101, %dma_wait3A_200] : memref<10000x128xf32, #tpu.memory_space<vmem_shared>> -> memref<128x128xf32, #tpu.memory_space<vmem_shared>>
      %dma_wait3A_202 = arith.constant 0 : i32
      %dma_wait3A_203 = tpu.memref_slice %arg5[%add3A_101, %dma_wait3A_202] : memref<10000x128xf32, #tpu.memory_space<vmem_shared>> -> memref<128x128xf32, #tpu.memory_space<vmem_shared>>
      %dma_wait3A_204 = arith.constant 0 : i32
      %dma_wait3A_205 = arith.constant 0 : i32
      %dma_wait3A_206 = tpu.memref_slice %arg6[%run_scoped3A_102, %dma_wait3A_204, %dma_wait3A_205] : memref<3x128x128xf32, #tpu.memory_space<vmem>> -> memref<1x128x128xf32, #tpu.memory_space<vmem>>
      %dma_wait3A_207 = tpu.memref_squeeze %dma_wait3A_206 : memref<1x128x128xf32, #tpu.memory_space<vmem>> -> memref<128x128xf32, #tpu.memory_space<vmem>>
      tpu.wait_dma2 semaphore(%run_scoped3A_183 : memref<!tpu.dma_semaphore, #tpu.memory_space<semaphore_mem>>) src(%dma_wait3A_207 : memref<128x128xf32, #tpu.memory_space<vmem>>) dst(%dma_wait3A_203 : memref<128x128xf32, #tpu.memory_space<vmem_shared>>)
      tpu.yield
    }) : () -> ()
    %mul3A_103 = arith.constant 624 : i32
    %mul3A_104 = arith.muli %arg1, %mul3A_103 : i32
    %add3A_105 = arith.constant 624 : i32
    %add3A_106 = arith.addi %mul3A_104, %add3A_105 : i32
    %sub3A = arith.constant 112 : i32
    %sub3A_107 = arith.subi %add3A_106, %sub3A : i32
    %run_scoped3A_108 = arith.constant 2 : i32
    "tpu.region"() ({
      %run_scoped3A_183 = tpu.sem_alloc : memref<!tpu.dma_semaphore, #tpu.memory_space<semaphore_mem>>
      %dma_start3A_184 = arith.constant 0 : i32
      %dma_start3A_185 = arith.constant 0 : i32
      %dma_start3A_186 = tpu.memref_slice %arg6[%run_scoped3A_108, %dma_start3A_184, %dma_start3A_185] : memref<3x128x128xf32, #tpu.memory_space<vmem>> -> memref<1x128x128xf32, #tpu.memory_space<vmem>>
      %dma_start3A_187 = tpu.memref_squeeze %dma_start3A_186 : memref<1x128x128xf32, #tpu.memory_space<vmem>> -> memref<128x128xf32, #tpu.memory_space<vmem>>
      %dma_start3A_188 = arith.constant 0 : i32
      %dma_start3A_189 = arith.constant 0 : i32
      %dma_start3A_190 = tpu.memref_slice %dma_start3A_187[%dma_start3A_188, %dma_start3A_189] : memref<128x128xf32, #tpu.memory_space<vmem>> -> memref<112x128xf32, #tpu.memory_space<vmem>>
      %dma_start3A_191 = arith.constant 0 : i32
      %dma_start3A_192 = tpu.memref_slice %arg5[%sub3A_107, %dma_start3A_191] : memref<10000x128xf32, #tpu.memory_space<vmem_shared>> -> memref<112x128xf32, #tpu.memory_space<vmem_shared>>
      %dma_start3A_193 = arith.constant 0 : i32
      %dma_start3A_194 = tpu.memref_slice %arg5[%sub3A_107, %dma_start3A_193] : memref<10000x128xf32, #tpu.memory_space<vmem_shared>> -> memref<112x128xf32, #tpu.memory_space<vmem_shared>>
      %dma_start3A_195 = arith.constant 0 : i32
      %dma_start3A_196 = arith.constant 0 : i32
      %dma_start3A_197 = tpu.memref_slice %arg6[%run_scoped3A_108, %dma_start3A_195, %dma_start3A_196] : memref<3x128x128xf32, #tpu.memory_space<vmem>> -> memref<1x128x128xf32, #tpu.memory_space<vmem>>
      %dma_start3A_198 = tpu.memref_squeeze %dma_start3A_197 : memref<1x128x128xf32, #tpu.memory_space<vmem>> -> memref<128x128xf32, #tpu.memory_space<vmem>>
      %dma_start3A_199 = arith.constant 0 : i32
      %dma_start3A_200 = arith.constant 0 : i32
      %dma_start3A_201 = tpu.memref_slice %dma_start3A_198[%dma_start3A_199, %dma_start3A_200] : memref<128x128xf32, #tpu.memory_space<vmem>> -> memref<112x128xf32, #tpu.memory_space<vmem>>
      tpu.enqueue_dma source(%dma_start3A_201 : memref<112x128xf32, #tpu.memory_space<vmem>>) target(%dma_start3A_194 : memref<112x128xf32, #tpu.memory_space<vmem_shared>>) target_semaphore(%run_scoped3A_183 : memref<!tpu.dma_semaphore, #tpu.memory_space<semaphore_mem>>)
      %dma_wait3A_202 = arith.constant 0 : i32
      %dma_wait3A_203 = arith.constant 0 : i32
      %dma_wait3A_204 = tpu.memref_slice %arg6[%run_scoped3A_108, %dma_wait3A_202, %dma_wait3A_203] : memref<3x128x128xf32, #tpu.memory_space<vmem>> -> memref<1x128x128xf32, #tpu.memory_space<vmem>>
      %dma_wait3A_205 = tpu.memref_squeeze %dma_wait3A_204 : memref<1x128x128xf32, #tpu.memory_space<vmem>> -> memref<128x128xf32, #tpu.memory_space<vmem>>
      %dma_wait3A_206 = arith.constant 0 : i32
      %dma_wait3A_207 = arith.constant 0 : i32
      %dma_wait3A_208 = tpu.memref_slice %dma_wait3A_205[%dma_wait3A_206, %dma_wait3A_207] : memref<128x128xf32, #tpu.memory_space<vmem>> -> memref<112x128xf32, #tpu.memory_space<vmem>>
      %dma_wait3A_209 = arith.constant 0 : i32
      %dma_wait3A_210 = tpu.memref_slice %arg5[%sub3A_107, %dma_wait3A_209] : memref<10000x128xf32, #tpu.memory_space<vmem_shared>> -> memref<112x128xf32, #tpu.memory_space<vmem_shared>>
      %dma_wait3A_211 = arith.constant 0 : i32
      %dma_wait3A_212 = tpu.memref_slice %arg5[%sub3A_107, %dma_wait3A_211] : memref<10000x128xf32, #tpu.memory_space<vmem_shared>> -> memref<112x128xf32, #tpu.memory_space<vmem_shared>>
      %dma_wait3A_213 = arith.constant 0 : i32
      %dma_wait3A_214 = arith.constant 0 : i32
      %dma_wait3A_215 = tpu.memref_slice %arg6[%run_scoped3A_108, %dma_wait3A_213, %dma_wait3A_214] : memref<3x128x128xf32, #tpu.memory_space<vmem>> -> memref<1x128x128xf32, #tpu.memory_space<vmem>>
      %dma_wait3A_216 = tpu.memref_squeeze %dma_wait3A_215 : memref<1x128x128xf32, #tpu.memory_space<vmem>> -> memref<128x128xf32, #tpu.memory_space<vmem>>
      %dma_wait3A_217 = arith.constant 0 : i32
      %dma_wait3A_218 = arith.constant 0 : i32
      %dma_wait3A_219 = tpu.memref_slice %dma_wait3A_216[%dma_wait3A_217, %dma_wait3A_218] : memref<128x128xf32, #tpu.memory_space<vmem>> -> memref<112x128xf32, #tpu.memory_space<vmem>>
      tpu.wait_dma2 semaphore(%run_scoped3A_183 : memref<!tpu.dma_semaphore, #tpu.memory_space<semaphore_mem>>) src(%dma_wait3A_219 : memref<112x128xf32, #tpu.memory_space<vmem>>) dst(%dma_wait3A_212 : memref<112x128xf32, #tpu.memory_space<vmem_shared>>)
      tpu.yield
    }) : () -> ()
    %eq3A = arith.constant 15 : i32
    %eq3A_109 = arith.cmpi eq, %arg1, %eq3A : i32
    %convert_element_type3A = arith.extui %eq3A_109 : i1 to i32
    %cond3A = arith.constant 2 : i32
    %cond3A_110 = arith.constant 0 : i32
    %cond3A_111 = arith.cmpi ne, %convert_element_type3A, %cond3A_110 : i32
    scf.if %cond3A_111 {
      "tpu.region"() ({
        %run_scoped3A_183 = tpu.sem_alloc : memref<!tpu.dma_semaphore, #tpu.memory_space<semaphore_mem>>
        %dma_start3A_184 = arith.constant 0 : i32
        %dma_start3A_185 = arith.constant 0 : i32
        %dma_start3A_186 = tpu.memref_slice %arg6[%cond3A, %dma_start3A_184, %dma_start3A_185] : memref<3x128x128xf32, #tpu.memory_space<vmem>> -> memref<1x128x128xf32, #tpu.memory_space<vmem>>
        %dma_start3A_187 = tpu.memref_squeeze %dma_start3A_186 : memref<1x128x128xf32, #tpu.memory_space<vmem>> -> memref<128x128xf32, #tpu.memory_space<vmem>>
        %dma_start3A_188 = arith.constant 0 : i32
        %dma_start3A_189 = arith.constant 0 : i32
        %dma_start3A_190 = tpu.memref_slice %dma_start3A_187[%dma_start3A_188, %dma_start3A_189] : memref<128x128xf32, #tpu.memory_space<vmem>> -> memref<16x128xf32, #tpu.memory_space<vmem>>
        %dma_start3A_191 = arith.constant 9984 : i32
        %dma_start3A_192 = arith.constant 0 : i32
        %dma_start3A_193 = tpu.memref_slice %arg5[%dma_start3A_191, %dma_start3A_192] : memref<10000x128xf32, #tpu.memory_space<vmem_shared>> -> memref<16x128xf32, #tpu.memory_space<vmem_shared>>
        %dma_start3A_194 = arith.constant 9984 : i32
        %dma_start3A_195 = arith.constant 0 : i32
        %dma_start3A_196 = tpu.memref_slice %arg5[%dma_start3A_194, %dma_start3A_195] : memref<10000x128xf32, #tpu.memory_space<vmem_shared>> -> memref<16x128xf32, #tpu.memory_space<vmem_shared>>
        %dma_start3A_197 = arith.constant 0 : i32
        %dma_start3A_198 = arith.constant 0 : i32
        %dma_start3A_199 = tpu.memref_slice %arg6[%cond3A, %dma_start3A_197, %dma_start3A_198] : memref<3x128x128xf32, #tpu.memory_space<vmem>> -> memref<1x128x128xf32, #tpu.memory_space<vmem>>
        %dma_start3A_200 = tpu.memref_squeeze %dma_start3A_199 : memref<1x128x128xf32, #tpu.memory_space<vmem>> -> memref<128x128xf32, #tpu.memory_space<vmem>>
        %dma_start3A_201 = arith.constant 0 : i32
        %dma_start3A_202 = arith.constant 0 : i32
        %dma_start3A_203 = tpu.memref_slice %dma_start3A_200[%dma_start3A_201, %dma_start3A_202] : memref<128x128xf32, #tpu.memory_space<vmem>> -> memref<16x128xf32, #tpu.memory_space<vmem>>
        tpu.enqueue_dma source(%dma_start3A_203 : memref<16x128xf32, #tpu.memory_space<vmem>>) target(%dma_start3A_196 : memref<16x128xf32, #tpu.memory_space<vmem_shared>>) target_semaphore(%run_scoped3A_183 : memref<!tpu.dma_semaphore, #tpu.memory_space<semaphore_mem>>)
        %dma_wait3A_204 = arith.constant 0 : i32
        %dma_wait3A_205 = arith.constant 0 : i32
        %dma_wait3A_206 = tpu.memref_slice %arg6[%cond3A, %dma_wait3A_204, %dma_wait3A_205] : memref<3x128x128xf32, #tpu.memory_space<vmem>> -> memref<1x128x128xf32, #tpu.memory_space<vmem>>
        %dma_wait3A_207 = tpu.memref_squeeze %dma_wait3A_206 : memref<1x128x128xf32, #tpu.memory_space<vmem>> -> memref<128x128xf32, #tpu.memory_space<vmem>>
        %dma_wait3A_208 = arith.constant 0 : i32
        %dma_wait3A_209 = arith.constant 0 : i32
        %dma_wait3A_210 = tpu.memref_slice %dma_wait3A_207[%dma_wait3A_208, %dma_wait3A_209] : memref<128x128xf32, #tpu.memory_space<vmem>> -> memref<16x128xf32, #tpu.memory_space<vmem>>
        %dma_wait3A_211 = arith.constant 9984 : i32
        %dma_wait3A_212 = arith.constant 0 : i32
        %dma_wait3A_213 = tpu.memref_slice %arg5[%dma_wait3A_211, %dma_wait3A_212] : memref<10000x128xf32, #tpu.memory_space<vmem_shared>> -> memref<16x128xf32, #tpu.memory_space<vmem_shared>>
        %dma_wait3A_214 = arith.constant 9984 : i32
        %dma_wait3A_215 = arith.constant 0 : i32
        %dma_wait3A_216 = tpu.memref_slice %arg5[%dma_wait3A_214, %dma_wait3A_215] : memref<10000x128xf32, #tpu.memory_space<vmem_shared>> -> memref<16x128xf32, #tpu.memory_space<vmem_shared>>
        %dma_wait3A_217 = arith.constant 0 : i32
        %dma_wait3A_218 = arith.constant 0 : i32
        %dma_wait3A_219 = tpu.memref_slice %arg6[%cond3A, %dma_wait3A_217, %dma_wait3A_218] : memref<3x128x128xf32, #tpu.memory_space<vmem>> -> memref<1x128x128xf32, #tpu.memory_space<vmem>>
        %dma_wait3A_220 = tpu.memref_squeeze %dma_wait3A_219 : memref<1x128x128xf32, #tpu.memory_space<vmem>> -> memref<128x128xf32, #tpu.memory_space<vmem>>
        %dma_wait3A_221 = arith.constant 0 : i32
        %dma_wait3A_222 = arith.constant 0 : i32
        %dma_wait3A_223 = tpu.memref_slice %dma_wait3A_220[%dma_wait3A_221, %dma_wait3A_222] : memref<128x128xf32, #tpu.memory_space<vmem>> -> memref<16x128xf32, #tpu.memory_space<vmem>>
        tpu.wait_dma2 semaphore(%run_scoped3A_183 : memref<!tpu.dma_semaphore, #tpu.memory_space<semaphore_mem>>) src(%dma_wait3A_223 : memref<16x128xf32, #tpu.memory_space<vmem>>) dst(%dma_wait3A_216 : memref<16x128xf32, #tpu.memory_space<vmem_shared>>)
        tpu.yield
      }) : () -> ()
    } else {
    }
    %barrier3A = arith.constant 0 : index
    tpu.barrier barrier_id(%barrier3A)
    %while3A = arith.constant 0 : i32
    %while3A_112 = arith.constant 0 : i32
    %while3A_113 = arith.subi %select_n3A, %while3A : i32
    %while3A_114 = arith.addi %while3A, %while3A_113 : i32
    %while3A_115 = arith.constant 1 : i32
    %while3A_116 = arith.divsi %while3A_113, %while3A_115 : i32
    %while3A_117 = arith.muli %while3A_116, %while3A_115 : i32
    %while3A_118 = arith.addi %while3A, %while3A_117 : i32
    %while3A_119 = arith.constant 1 : i32
    %while3A_120 = scf.for %while3A_183 = %while3A to %while3A_118 step %while3A_119 iter_args(%while3A_184 = %while3A_112) -> (i32)  : i32 {
      %rem3A = arith.constant 3 : i32
      %rem3A_185 = arith.remsi %while3A_183, %rem3A : i32
      %add3A_186 = arith.constant 3 : i32
      %add3A_187 = arith.addi %while3A_183, %add3A_186 : i32
      %sub3A_188 = arith.constant 1 : i32
      %sub3A_189 = arith.subi %add3A_187, %sub3A_188 : i32
      %rem3A_190 = arith.constant 3 : i32
      %rem3A_191 = arith.remsi %sub3A_189, %rem3A_190 : i32
      %lt3A_192 = arith.cmpi slt, %sub3A_189, %select_n3A : i32
      %convert_element_type3A_193 = arith.extui %lt3A_192 : i1 to i32
      %cond3A_194 = arith.constant 0 : i32
      %cond3A_195 = arith.cmpi ne, %convert_element_type3A_193, %cond3A_194 : i32
      scf.if %cond3A_195 {
        %ge3A = arith.constant 1 : i32
        %ge3A_241 = arith.cmpi sge, %while3A_183, %ge3A : i32
        %convert_element_type3A_242 = arith.extui %ge3A_241 : i1 to i32
        %cond3A_243 = arith.constant 0 : i32
        %cond3A_244 = arith.cmpi ne, %convert_element_type3A_242, %cond3A_243 : i32
        scf.if %cond3A_244 {
          %dma_wait3A_276 = arith.constant 1 : i32
          %dma_wait3A_277 = arith.constant 0 : i32
          %dma_wait3A_278 = arith.constant 0 : i32
          %dma_wait3A_279 = tpu.memref_slice %arg6[%rem3A_191, %dma_wait3A_277, %dma_wait3A_278] : memref<3x128x128xf32, #tpu.memory_space<vmem>> -> memref<1x128x128xf32, #tpu.memory_space<vmem>>
          %dma_wait3A_280 = tpu.memref_squeeze %dma_wait3A_279 : memref<1x128x128xf32, #tpu.memory_space<vmem>> -> memref<128x128xf32, #tpu.memory_space<vmem>>
          %dma_wait3A_281 = arith.constant 0 : i32
          %dma_wait3A_282 = tpu.memref_slice %arg7[%rem3A_191, %dma_wait3A_276, %dma_wait3A_281] : memref<3x2x128xi32, #tpu.memory_space<vmem>> -> memref<1x1x128xi32, #tpu.memory_space<vmem>>
          %dma_wait3A_283 = tpu.memref_squeeze %dma_wait3A_282 : memref<1x1x128xi32, #tpu.memory_space<vmem>> -> memref<128xi32, #tpu.memory_space<vmem>>
          %dma_wait3A_284 = arith.constant 0 : i32
          %dma_wait3A_285 = arith.constant 0 : i32
          %dma_wait3A_286 = tpu.memref_slice %arg5[%dma_wait3A_284, %dma_wait3A_285] : memref<10000x128xf32, #tpu.memory_space<vmem_shared>> -> memref<10000x128xf32, #tpu.memory_space<vmem_shared>>
          %dma_wait3A_287 = tpu.memref_slice %arg10[%rem3A_191] : memref<3x!tpu.dma_semaphore, #tpu.memory_space<semaphore_mem>> -> memref<1x!tpu.dma_semaphore, #tpu.memory_space<semaphore_mem>>
          %dma_wait3A_288 = tpu.memref_squeeze %dma_wait3A_287 : memref<1x!tpu.dma_semaphore, #tpu.memory_space<semaphore_mem>> -> memref<!tpu.dma_semaphore, #tpu.memory_space<semaphore_mem>>
          tpu.wait_indirect_dma semaphore(%dma_wait3A_288 : memref<!tpu.dma_semaphore, #tpu.memory_space<semaphore_mem>>) src(%dma_wait3A_280 : memref<128x128xf32, #tpu.memory_space<vmem>>) dst(%dma_wait3A_286 : memref<10000x128xf32, #tpu.memory_space<vmem_shared>>)
        } else {
        }
        %add3A_245 = arith.addi %add3A_4, %sub3A_189 : i32
        %mul3A_246 = arith.constant 128 : i32
        %mul3A_247 = arith.muli %add3A_245, %mul3A_246 : i32
        %dma_start3A_248 = arith.constant 0 : i32
        %dma_start3A_249 = arith.constant 0 : i32
        %dma_start3A_250 = tpu.memref_slice %arg7[%rem3A_191, %dma_start3A_248, %dma_start3A_249] : memref<3x2x128xi32, #tpu.memory_space<vmem>> -> memref<1x2x128xi32, #tpu.memory_space<vmem>>
        %dma_start3A_251 = tpu.memref_squeeze %dma_start3A_250 : memref<1x2x128xi32, #tpu.memory_space<vmem>> -> memref<2x128xi32, #tpu.memory_space<vmem>>
        %dma_start3A_252 = arith.constant 0 : i32
        %dma_start3A_253 = tpu.memref_slice %arg3[%dma_start3A_252, %mul3A_247] : memref<2x320000xi32, #tpu.memory_space<hbm>> -> memref<2x128xi32, #tpu.memory_space<hbm>>
        %dma_start3A_254 = tpu.memref_slice %arg8[%rem3A_191] : memref<3x!tpu.dma_semaphore, #tpu.memory_space<semaphore_mem>> -> memref<1x!tpu.dma_semaphore, #tpu.memory_space<semaphore_mem>>
        %dma_start3A_255 = tpu.memref_squeeze %dma_start3A_254 : memref<1x!tpu.dma_semaphore, #tpu.memory_space<semaphore_mem>> -> memref<!tpu.dma_semaphore, #tpu.memory_space<semaphore_mem>>
        %dma_start3A_256 = arith.constant 0 : i32
        %dma_start3A_257 = arith.constant 0 : i32
        %dma_start3A_258 = tpu.memref_slice %arg7[%rem3A_191, %dma_start3A_256, %dma_start3A_257] : memref<3x2x128xi32, #tpu.memory_space<vmem>> -> memref<1x2x128xi32, #tpu.memory_space<vmem>>
        %dma_start3A_259 = tpu.memref_squeeze %dma_start3A_258 : memref<1x2x128xi32, #tpu.memory_space<vmem>> -> memref<2x128xi32, #tpu.memory_space<vmem>>
        %dma_start3A_260 = arith.constant 0 : i32
        %dma_start3A_261 = tpu.memref_slice %arg3[%dma_start3A_260, %mul3A_247] : memref<2x320000xi32, #tpu.memory_space<hbm>> -> memref<2x128xi32, #tpu.memory_space<hbm>>
        tpu.enqueue_dma source(%dma_start3A_261 : memref<2x128xi32, #tpu.memory_space<hbm>>) target(%dma_start3A_259 : memref<2x128xi32, #tpu.memory_space<vmem>>) target_semaphore(%dma_start3A_255 : memref<!tpu.dma_semaphore, #tpu.memory_space<semaphore_mem>>)
        %dma_start3A_262 = arith.constant 0 : i32
        %dma_start3A_263 = arith.constant 0 : i32
        %dma_start3A_264 = tpu.memref_slice %arg6[%rem3A_191, %dma_start3A_262, %dma_start3A_263] : memref<3x128x128xf32, #tpu.memory_space<vmem>> -> memref<1x128x128xf32, #tpu.memory_space<vmem>>
        %dma_start3A_265 = tpu.memref_squeeze %dma_start3A_264 : memref<1x128x128xf32, #tpu.memory_space<vmem>> -> memref<128x128xf32, #tpu.memory_space<vmem>>
        %dma_start3A_266 = arith.constant 0 : i32
        %dma_start3A_267 = tpu.memref_slice %arg2[%mul3A_247, %dma_start3A_266] : memref<320000x128xf32, #tpu.memory_space<hbm>> -> memref<128x128xf32, #tpu.memory_space<hbm>>
        %dma_start3A_268 = tpu.memref_slice %arg9[%rem3A_191] : memref<3x!tpu.dma_semaphore, #tpu.memory_space<semaphore_mem>> -> memref<1x!tpu.dma_semaphore, #tpu.memory_space<semaphore_mem>>
        %dma_start3A_269 = tpu.memref_squeeze %dma_start3A_268 : memref<1x!tpu.dma_semaphore, #tpu.memory_space<semaphore_mem>> -> memref<!tpu.dma_semaphore, #tpu.memory_space<semaphore_mem>>
        %dma_start3A_270 = arith.constant 0 : i32
        %dma_start3A_271 = arith.constant 0 : i32
        %dma_start3A_272 = tpu.memref_slice %arg6[%rem3A_191, %dma_start3A_270, %dma_start3A_271] : memref<3x128x128xf32, #tpu.memory_space<vmem>> -> memref<1x128x128xf32, #tpu.memory_space<vmem>>
        %dma_start3A_273 = tpu.memref_squeeze %dma_start3A_272 : memref<1x128x128xf32, #tpu.memory_space<vmem>> -> memref<128x128xf32, #tpu.memory_space<vmem>>
        %dma_start3A_274 = arith.constant 0 : i32
        %dma_start3A_275 = tpu.memref_slice %arg2[%mul3A_247, %dma_start3A_274] : memref<320000x128xf32, #tpu.memory_space<hbm>> -> memref<128x128xf32, #tpu.memory_space<hbm>>
        tpu.enqueue_dma source(%dma_start3A_275 : memref<128x128xf32, #tpu.memory_space<hbm>>) target(%dma_start3A_273 : memref<128x128xf32, #tpu.memory_space<vmem>>) target_semaphore(%dma_start3A_269 : memref<!tpu.dma_semaphore, #tpu.memory_space<semaphore_mem>>)
      } else {
      }
      %add3A_196 = arith.addi %add3A_4, %while3A_183 : i32
      %mul3A_197 = arith.constant 128 : i32
      %mul3A_198 = arith.muli %add3A_196, %mul3A_197 : i32
      %dma_wait3A_199 = arith.constant 0 : i32
      %dma_wait3A_200 = arith.constant 0 : i32
      %dma_wait3A_201 = tpu.memref_slice %arg7[%rem3A_185, %dma_wait3A_199, %dma_wait3A_200] : memref<3x2x128xi32, #tpu.memory_space<vmem>> -> memref<1x2x128xi32, #tpu.memory_space<vmem>>
      %dma_wait3A_202 = tpu.memref_squeeze %dma_wait3A_201 : memref<1x2x128xi32, #tpu.memory_space<vmem>> -> memref<2x128xi32, #tpu.memory_space<vmem>>
      %dma_wait3A_203 = arith.constant 0 : i32
      %dma_wait3A_204 = tpu.memref_slice %arg3[%dma_wait3A_203, %mul3A_198] : memref<2x320000xi32, #tpu.memory_space<hbm>> -> memref<2x128xi32, #tpu.memory_space<hbm>>
      %dma_wait3A_205 = tpu.memref_slice %arg8[%rem3A_185] : memref<3x!tpu.dma_semaphore, #tpu.memory_space<semaphore_mem>> -> memref<1x!tpu.dma_semaphore, #tpu.memory_space<semaphore_mem>>
      %dma_wait3A_206 = tpu.memref_squeeze %dma_wait3A_205 : memref<1x!tpu.dma_semaphore, #tpu.memory_space<semaphore_mem>> -> memref<!tpu.dma_semaphore, #tpu.memory_space<semaphore_mem>>
      %dma_wait3A_207 = arith.constant 0 : i32
      %dma_wait3A_208 = arith.constant 0 : i32
      %dma_wait3A_209 = tpu.memref_slice %arg7[%rem3A_185, %dma_wait3A_207, %dma_wait3A_208] : memref<3x2x128xi32, #tpu.memory_space<vmem>> -> memref<1x2x128xi32, #tpu.memory_space<vmem>>
      %dma_wait3A_210 = tpu.memref_squeeze %dma_wait3A_209 : memref<1x2x128xi32, #tpu.memory_space<vmem>> -> memref<2x128xi32, #tpu.memory_space<vmem>>
      %dma_wait3A_211 = arith.constant 0 : i32
      %dma_wait3A_212 = tpu.memref_slice %arg3[%dma_wait3A_211, %mul3A_198] : memref<2x320000xi32, #tpu.memory_space<hbm>> -> memref<2x128xi32, #tpu.memory_space<hbm>>
      tpu.wait_dma2 semaphore(%dma_wait3A_206 : memref<!tpu.dma_semaphore, #tpu.memory_space<semaphore_mem>>) src(%dma_wait3A_212 : memref<2x128xi32, #tpu.memory_space<hbm>>) dst(%dma_wait3A_210 : memref<2x128xi32, #tpu.memory_space<vmem>>)
      %dma_wait3A_213 = arith.constant 0 : i32
      %dma_wait3A_214 = arith.constant 0 : i32
      %dma_wait3A_215 = tpu.memref_slice %arg6[%rem3A_185, %dma_wait3A_213, %dma_wait3A_214] : memref<3x128x128xf32, #tpu.memory_space<vmem>> -> memref<1x128x128xf32, #tpu.memory_space<vmem>>
      %dma_wait3A_216 = tpu.memref_squeeze %dma_wait3A_215 : memref<1x128x128xf32, #tpu.memory_space<vmem>> -> memref<128x128xf32, #tpu.memory_space<vmem>>
      %dma_wait3A_217 = arith.constant 0 : i32
      %dma_wait3A_218 = tpu.memref_slice %arg2[%mul3A_198, %dma_wait3A_217] : memref<320000x128xf32, #tpu.memory_space<hbm>> -> memref<128x128xf32, #tpu.memory_space<hbm>>
      %dma_wait3A_219 = tpu.memref_slice %arg9[%rem3A_185] : memref<3x!tpu.dma_semaphore, #tpu.memory_space<semaphore_mem>> -> memref<1x!tpu.dma_semaphore, #tpu.memory_space<semaphore_mem>>
      %dma_wait3A_220 = tpu.memref_squeeze %dma_wait3A_219 : memref<1x!tpu.dma_semaphore, #tpu.memory_space<semaphore_mem>> -> memref<!tpu.dma_semaphore, #tpu.memory_space<semaphore_mem>>
      %dma_wait3A_221 = arith.constant 0 : i32
      %dma_wait3A_222 = arith.constant 0 : i32
      %dma_wait3A_223 = tpu.memref_slice %arg6[%rem3A_185, %dma_wait3A_221, %dma_wait3A_222] : memref<3x128x128xf32, #tpu.memory_space<vmem>> -> memref<1x128x128xf32, #tpu.memory_space<vmem>>
      %dma_wait3A_224 = tpu.memref_squeeze %dma_wait3A_223 : memref<1x128x128xf32, #tpu.memory_space<vmem>> -> memref<128x128xf32, #tpu.memory_space<vmem>>
      %dma_wait3A_225 = arith.constant 0 : i32
      %dma_wait3A_226 = tpu.memref_slice %arg2[%mul3A_198, %dma_wait3A_225] : memref<320000x128xf32, #tpu.memory_space<hbm>> -> memref<128x128xf32, #tpu.memory_space<hbm>>
      tpu.wait_dma2 semaphore(%dma_wait3A_220 : memref<!tpu.dma_semaphore, #tpu.memory_space<semaphore_mem>>) src(%dma_wait3A_226 : memref<128x128xf32, #tpu.memory_space<hbm>>) dst(%dma_wait3A_224 : memref<128x128xf32, #tpu.memory_space<vmem>>)
      %dma_start3A_227 = arith.constant 1 : i32
      %dma_start3A_228 = arith.constant 0 : i32
      %dma_start3A_229 = arith.constant 0 : i32
      %dma_start3A_230 = tpu.memref_slice %arg6[%rem3A_185, %dma_start3A_228, %dma_start3A_229] : memref<3x128x128xf32, #tpu.memory_space<vmem>> -> memref<1x128x128xf32, #tpu.memory_space<vmem>>
      %dma_start3A_231 = tpu.memref_squeeze %dma_start3A_230 : memref<1x128x128xf32, #tpu.memory_space<vmem>> -> memref<128x128xf32, #tpu.memory_space<vmem>>
      %dma_start3A_232 = arith.constant 0 : i32
      %dma_start3A_233 = tpu.memref_slice %arg7[%rem3A_185, %dma_start3A_227, %dma_start3A_232] : memref<3x2x128xi32, #tpu.memory_space<vmem>> -> memref<1x1x128xi32, #tpu.memory_space<vmem>>
      %dma_start3A_234 = tpu.memref_squeeze %dma_start3A_233 : memref<1x1x128xi32, #tpu.memory_space<vmem>> -> memref<128xi32, #tpu.memory_space<vmem>>
      %dma_start3A_235 = arith.constant 0 : i32
      %dma_start3A_236 = arith.constant 0 : i32
      %dma_start3A_237 = tpu.memref_slice %arg5[%dma_start3A_235, %dma_start3A_236] : memref<10000x128xf32, #tpu.memory_space<vmem_shared>> -> memref<10000x128xf32, #tpu.memory_space<vmem_shared>>
      %dma_start3A_238 = tpu.memref_slice %arg10[%rem3A_185] : memref<3x!tpu.dma_semaphore, #tpu.memory_space<semaphore_mem>> -> memref<1x!tpu.dma_semaphore, #tpu.memory_space<semaphore_mem>>
      %dma_start3A_239 = tpu.memref_squeeze %dma_start3A_238 : memref<1x!tpu.dma_semaphore, #tpu.memory_space<semaphore_mem>> -> memref<!tpu.dma_semaphore, #tpu.memory_space<semaphore_mem>>
      tpu.enqueue_indirect_dma source(%dma_start3A_231 : memref<128x128xf32, #tpu.memory_space<vmem>>) target(%dma_start3A_237 : memref<10000x128xf32, #tpu.memory_space<vmem_shared>>) offsets(%dma_start3A_234 : memref<128xi32, #tpu.memory_space<vmem>>) semaphore(%dma_start3A_239 : memref<!tpu.dma_semaphore, #tpu.memory_space<semaphore_mem>>) {add = true}
      %while3A_240 = arith.constant 0 : i32
      scf.yield %while3A_240 : i32
    }
    %while3A_121 = arith.constant 1 : i32
    %while3A_122 = scf.for %while3A_183 = %while3A_118 to %while3A_114 step %while3A_121 iter_args(%while3A_184 = %while3A_120) -> (i32)  : i32 {
      %rem3A = arith.constant 3 : i32
      %rem3A_185 = arith.remsi %while3A_183, %rem3A : i32
      %add3A_186 = arith.constant 3 : i32
      %add3A_187 = arith.addi %while3A_183, %add3A_186 : i32
      %sub3A_188 = arith.constant 1 : i32
      %sub3A_189 = arith.subi %add3A_187, %sub3A_188 : i32
      %rem3A_190 = arith.constant 3 : i32
      %rem3A_191 = arith.remsi %sub3A_189, %rem3A_190 : i32
      %lt3A_192 = arith.cmpi slt, %sub3A_189, %select_n3A : i32
      %convert_element_type3A_193 = arith.extui %lt3A_192 : i1 to i32
      %cond3A_194 = arith.constant 0 : i32
      %cond3A_195 = arith.cmpi ne, %convert_element_type3A_193, %cond3A_194 : i32
      scf.if %cond3A_195 {
        %ge3A = arith.constant 1 : i32
        %ge3A_241 = arith.cmpi sge, %while3A_183, %ge3A : i32
        %convert_element_type3A_242 = arith.extui %ge3A_241 : i1 to i32
        %cond3A_243 = arith.constant 0 : i32
        %cond3A_244 = arith.cmpi ne, %convert_element_type3A_242, %cond3A_243 : i32
        scf.if %cond3A_244 {
          %dma_wait3A_276 = arith.constant 1 : i32
          %dma_wait3A_277 = arith.constant 0 : i32
          %dma_wait3A_278 = arith.constant 0 : i32
          %dma_wait3A_279 = tpu.memref_slice %arg6[%rem3A_191, %dma_wait3A_277, %dma_wait3A_278] : memref<3x128x128xf32, #tpu.memory_space<vmem>> -> memref<1x128x128xf32, #tpu.memory_space<vmem>>
          %dma_wait3A_280 = tpu.memref_squeeze %dma_wait3A_279 : memref<1x128x128xf32, #tpu.memory_space<vmem>> -> memref<128x128xf32, #tpu.memory_space<vmem>>
          %dma_wait3A_281 = arith.constant 0 : i32
          %dma_wait3A_282 = tpu.memref_slice %arg7[%rem3A_191, %dma_wait3A_276, %dma_wait3A_281] : memref<3x2x128xi32, #tpu.memory_space<vmem>> -> memref<1x1x128xi32, #tpu.memory_space<vmem>>
          %dma_wait3A_283 = tpu.memref_squeeze %dma_wait3A_282 : memref<1x1x128xi32, #tpu.memory_space<vmem>> -> memref<128xi32, #tpu.memory_space<vmem>>
          %dma_wait3A_284 = arith.constant 0 : i32
          %dma_wait3A_285 = arith.constant 0 : i32
          %dma_wait3A_286 = tpu.memref_slice %arg5[%dma_wait3A_284, %dma_wait3A_285] : memref<10000x128xf32, #tpu.memory_space<vmem_shared>> -> memref<10000x128xf32, #tpu.memory_space<vmem_shared>>
          %dma_wait3A_287 = tpu.memref_slice %arg10[%rem3A_191] : memref<3x!tpu.dma_semaphore, #tpu.memory_space<semaphore_mem>> -> memref<1x!tpu.dma_semaphore, #tpu.memory_space<semaphore_mem>>
          %dma_wait3A_288 = tpu.memref_squeeze %dma_wait3A_287 : memref<1x!tpu.dma_semaphore, #tpu.memory_space<semaphore_mem>> -> memref<!tpu.dma_semaphore, #tpu.memory_space<semaphore_mem>>
          tpu.wait_indirect_dma semaphore(%dma_wait3A_288 : memref<!tpu.dma_semaphore, #tpu.memory_space<semaphore_mem>>) src(%dma_wait3A_280 : memref<128x128xf32, #tpu.memory_space<vmem>>) dst(%dma_wait3A_286 : memref<10000x128xf32, #tpu.memory_space<vmem_shared>>)
        } else {
        }
        %add3A_245 = arith.addi %add3A_4, %sub3A_189 : i32
        %mul3A_246 = arith.constant 128 : i32
        %mul3A_247 = arith.muli %add3A_245, %mul3A_246 : i32
        %dma_start3A_248 = arith.constant 0 : i32
        %dma_start3A_249 = arith.constant 0 : i32
        %dma_start3A_250 = tpu.memref_slice %arg7[%rem3A_191, %dma_start3A_248, %dma_start3A_249] : memref<3x2x128xi32, #tpu.memory_space<vmem>> -> memref<1x2x128xi32, #tpu.memory_space<vmem>>
        %dma_start3A_251 = tpu.memref_squeeze %dma_start3A_250 : memref<1x2x128xi32, #tpu.memory_space<vmem>> -> memref<2x128xi32, #tpu.memory_space<vmem>>
        %dma_start3A_252 = arith.constant 0 : i32
        %dma_start3A_253 = tpu.memref_slice %arg3[%dma_start3A_252, %mul3A_247] : memref<2x320000xi32, #tpu.memory_space<hbm>> -> memref<2x128xi32, #tpu.memory_space<hbm>>
        %dma_start3A_254 = tpu.memref_slice %arg8[%rem3A_191] : memref<3x!tpu.dma_semaphore, #tpu.memory_space<semaphore_mem>> -> memref<1x!tpu.dma_semaphore, #tpu.memory_space<semaphore_mem>>
        %dma_start3A_255 = tpu.memref_squeeze %dma_start3A_254 : memref<1x!tpu.dma_semaphore, #tpu.memory_space<semaphore_mem>> -> memref<!tpu.dma_semaphore, #tpu.memory_space<semaphore_mem>>
        %dma_start3A_256 = arith.constant 0 : i32
        %dma_start3A_257 = arith.constant 0 : i32
        %dma_start3A_258 = tpu.memref_slice %arg7[%rem3A_191, %dma_start3A_256, %dma_start3A_257] : memref<3x2x128xi32, #tpu.memory_space<vmem>> -> memref<1x2x128xi32, #tpu.memory_space<vmem>>
        %dma_start3A_259 = tpu.memref_squeeze %dma_start3A_258 : memref<1x2x128xi32, #tpu.memory_space<vmem>> -> memref<2x128xi32, #tpu.memory_space<vmem>>
        %dma_start3A_260 = arith.constant 0 : i32
        %dma_start3A_261 = tpu.memref_slice %arg3[%dma_start3A_260, %mul3A_247] : memref<2x320000xi32, #tpu.memory_space<hbm>> -> memref<2x128xi32, #tpu.memory_space<hbm>>
        tpu.enqueue_dma source(%dma_start3A_261 : memref<2x128xi32, #tpu.memory_space<hbm>>) target(%dma_start3A_259 : memref<2x128xi32, #tpu.memory_space<vmem>>) target_semaphore(%dma_start3A_255 : memref<!tpu.dma_semaphore, #tpu.memory_space<semaphore_mem>>)
        %dma_start3A_262 = arith.constant 0 : i32
        %dma_start3A_263 = arith.constant 0 : i32
        %dma_start3A_264 = tpu.memref_slice %arg6[%rem3A_191, %dma_start3A_262, %dma_start3A_263] : memref<3x128x128xf32, #tpu.memory_space<vmem>> -> memref<1x128x128xf32, #tpu.memory_space<vmem>>
        %dma_start3A_265 = tpu.memref_squeeze %dma_start3A_264 : memref<1x128x128xf32, #tpu.memory_space<vmem>> -> memref<128x128xf32, #tpu.memory_space<vmem>>
        %dma_start3A_266 = arith.constant 0 : i32
        %dma_start3A_267 = tpu.memref_slice %arg2[%mul3A_247, %dma_start3A_266] : memref<320000x128xf32, #tpu.memory_space<hbm>> -> memref<128x128xf32, #tpu.memory_space<hbm>>
        %dma_start3A_268 = tpu.memref_slice %arg9[%rem3A_191] : memref<3x!tpu.dma_semaphore, #tpu.memory_space<semaphore_mem>> -> memref<1x!tpu.dma_semaphore, #tpu.memory_space<semaphore_mem>>
        %dma_start3A_269 = tpu.memref_squeeze %dma_start3A_268 : memref<1x!tpu.dma_semaphore, #tpu.memory_space<semaphore_mem>> -> memref<!tpu.dma_semaphore, #tpu.memory_space<semaphore_mem>>
        %dma_start3A_270 = arith.constant 0 : i32
        %dma_start3A_271 = arith.constant 0 : i32
        %dma_start3A_272 = tpu.memref_slice %arg6[%rem3A_191, %dma_start3A_270, %dma_start3A_271] : memref<3x128x128xf32, #tpu.memory_space<vmem>> -> memref<1x128x128xf32, #tpu.memory_space<vmem>>
        %dma_start3A_273 = tpu.memref_squeeze %dma_start3A_272 : memref<1x128x128xf32, #tpu.memory_space<vmem>> -> memref<128x128xf32, #tpu.memory_space<vmem>>
        %dma_start3A_274 = arith.constant 0 : i32
        %dma_start3A_275 = tpu.memref_slice %arg2[%mul3A_247, %dma_start3A_274] : memref<320000x128xf32, #tpu.memory_space<hbm>> -> memref<128x128xf32, #tpu.memory_space<hbm>>
        tpu.enqueue_dma source(%dma_start3A_275 : memref<128x128xf32, #tpu.memory_space<hbm>>) target(%dma_start3A_273 : memref<128x128xf32, #tpu.memory_space<vmem>>) target_semaphore(%dma_start3A_269 : memref<!tpu.dma_semaphore, #tpu.memory_space<semaphore_mem>>)
      } else {
      }
      %add3A_196 = arith.addi %add3A_4, %while3A_183 : i32
      %mul3A_197 = arith.constant 128 : i32
      %mul3A_198 = arith.muli %add3A_196, %mul3A_197 : i32
      %dma_wait3A_199 = arith.constant 0 : i32
      %dma_wait3A_200 = arith.constant 0 : i32
      %dma_wait3A_201 = tpu.memref_slice %arg7[%rem3A_185, %dma_wait3A_199, %dma_wait3A_200] : memref<3x2x128xi32, #tpu.memory_space<vmem>> -> memref<1x2x128xi32, #tpu.memory_space<vmem>>
      %dma_wait3A_202 = tpu.memref_squeeze %dma_wait3A_201 : memref<1x2x128xi32, #tpu.memory_space<vmem>> -> memref<2x128xi32, #tpu.memory_space<vmem>>
      %dma_wait3A_203 = arith.constant 0 : i32
      %dma_wait3A_204 = tpu.memref_slice %arg3[%dma_wait3A_203, %mul3A_198] : memref<2x320000xi32, #tpu.memory_space<hbm>> -> memref<2x128xi32, #tpu.memory_space<hbm>>
      %dma_wait3A_205 = tpu.memref_slice %arg8[%rem3A_185] : memref<3x!tpu.dma_semaphore, #tpu.memory_space<semaphore_mem>> -> memref<1x!tpu.dma_semaphore, #tpu.memory_space<semaphore_mem>>
      %dma_wait3A_206 = tpu.memref_squeeze %dma_wait3A_205 : memref<1x!tpu.dma_semaphore, #tpu.memory_space<semaphore_mem>> -> memref<!tpu.dma_semaphore, #tpu.memory_space<semaphore_mem>>
      %dma_wait3A_207 = arith.constant 0 : i32
      %dma_wait3A_208 = arith.constant 0 : i32
      %dma_wait3A_209 = tpu.memref_slice %arg7[%rem3A_185, %dma_wait3A_207, %dma_wait3A_208] : memref<3x2x128xi32, #tpu.memory_space<vmem>> -> memref<1x2x128xi32, #tpu.memory_space<vmem>>
      %dma_wait3A_210 = tpu.memref_squeeze %dma_wait3A_209 : memref<1x2x128xi32, #tpu.memory_space<vmem>> -> memref<2x128xi32, #tpu.memory_space<vmem>>
      %dma_wait3A_211 = arith.constant 0 : i32
      %dma_wait3A_212 = tpu.memref_slice %arg3[%dma_wait3A_211, %mul3A_198] : memref<2x320000xi32, #tpu.memory_space<hbm>> -> memref<2x128xi32, #tpu.memory_space<hbm>>
      tpu.wait_dma2 semaphore(%dma_wait3A_206 : memref<!tpu.dma_semaphore, #tpu.memory_space<semaphore_mem>>) src(%dma_wait3A_212 : memref<2x128xi32, #tpu.memory_space<hbm>>) dst(%dma_wait3A_210 : memref<2x128xi32, #tpu.memory_space<vmem>>)
      %dma_wait3A_213 = arith.constant 0 : i32
      %dma_wait3A_214 = arith.constant 0 : i32
      %dma_wait3A_215 = tpu.memref_slice %arg6[%rem3A_185, %dma_wait3A_213, %dma_wait3A_214] : memref<3x128x128xf32, #tpu.memory_space<vmem>> -> memref<1x128x128xf32, #tpu.memory_space<vmem>>
      %dma_wait3A_216 = tpu.memref_squeeze %dma_wait3A_215 : memref<1x128x128xf32, #tpu.memory_space<vmem>> -> memref<128x128xf32, #tpu.memory_space<vmem>>
      %dma_wait3A_217 = arith.constant 0 : i32
      %dma_wait3A_218 = tpu.memref_slice %arg2[%mul3A_198, %dma_wait3A_217] : memref<320000x128xf32, #tpu.memory_space<hbm>> -> memref<128x128xf32, #tpu.memory_space<hbm>>
      %dma_wait3A_219 = tpu.memref_slice %arg9[%rem3A_185] : memref<3x!tpu.dma_semaphore, #tpu.memory_space<semaphore_mem>> -> memref<1x!tpu.dma_semaphore, #tpu.memory_space<semaphore_mem>>
      %dma_wait3A_220 = tpu.memref_squeeze %dma_wait3A_219 : memref<1x!tpu.dma_semaphore, #tpu.memory_space<semaphore_mem>> -> memref<!tpu.dma_semaphore, #tpu.memory_space<semaphore_mem>>
      %dma_wait3A_221 = arith.constant 0 : i32
      %dma_wait3A_222 = arith.constant 0 : i32
      %dma_wait3A_223 = tpu.memref_slice %arg6[%rem3A_185, %dma_wait3A_221, %dma_wait3A_222] : memref<3x128x128xf32, #tpu.memory_space<vmem>> -> memref<1x128x128xf32, #tpu.memory_space<vmem>>
      %dma_wait3A_224 = tpu.memref_squeeze %dma_wait3A_223 : memref<1x128x128xf32, #tpu.memory_space<vmem>> -> memref<128x128xf32, #tpu.memory_space<vmem>>
      %dma_wait3A_225 = arith.constant 0 : i32
      %dma_wait3A_226 = tpu.memref_slice %arg2[%mul3A_198, %dma_wait3A_225] : memref<320000x128xf32, #tpu.memory_space<hbm>> -> memref<128x128xf32, #tpu.memory_space<hbm>>
      tpu.wait_dma2 semaphore(%dma_wait3A_220 : memref<!tpu.dma_semaphore, #tpu.memory_space<semaphore_mem>>) src(%dma_wait3A_226 : memref<128x128xf32, #tpu.memory_space<hbm>>) dst(%dma_wait3A_224 : memref<128x128xf32, #tpu.memory_space<vmem>>)
      %dma_start3A_227 = arith.constant 1 : i32
      %dma_start3A_228 = arith.constant 0 : i32
      %dma_start3A_229 = arith.constant 0 : i32
      %dma_start3A_230 = tpu.memref_slice %arg6[%rem3A_185, %dma_start3A_228, %dma_start3A_229] : memref<3x128x128xf32, #tpu.memory_space<vmem>> -> memref<1x128x128xf32, #tpu.memory_space<vmem>>
      %dma_start3A_231 = tpu.memref_squeeze %dma_start3A_230 : memref<1x128x128xf32, #tpu.memory_space<vmem>> -> memref<128x128xf32, #tpu.memory_space<vmem>>
      %dma_start3A_232 = arith.constant 0 : i32
      %dma_start3A_233 = tpu.memref_slice %arg7[%rem3A_185, %dma_start3A_227, %dma_start3A_232] : memref<3x2x128xi32, #tpu.memory_space<vmem>> -> memref<1x1x128xi32, #tpu.memory_space<vmem>>
      %dma_start3A_234 = tpu.memref_squeeze %dma_start3A_233 : memref<1x1x128xi32, #tpu.memory_space<vmem>> -> memref<128xi32, #tpu.memory_space<vmem>>
      %dma_start3A_235 = arith.constant 0 : i32
      %dma_start3A_236 = arith.constant 0 : i32
      %dma_start3A_237 = tpu.memref_slice %arg5[%dma_start3A_235, %dma_start3A_236] : memref<10000x128xf32, #tpu.memory_space<vmem_shared>> -> memref<10000x128xf32, #tpu.memory_space<vmem_shared>>
      %dma_start3A_238 = tpu.memref_slice %arg10[%rem3A_185] : memref<3x!tpu.dma_semaphore, #tpu.memory_space<semaphore_mem>> -> memref<1x!tpu.dma_semaphore, #tpu.memory_space<semaphore_mem>>
      %dma_start3A_239 = tpu.memref_squeeze %dma_start3A_238 : memref<1x!tpu.dma_semaphore, #tpu.memory_space<semaphore_mem>> -> memref<!tpu.dma_semaphore, #tpu.memory_space<semaphore_mem>>
      tpu.enqueue_indirect_dma source(%dma_start3A_231 : memref<128x128xf32, #tpu.memory_space<vmem>>) target(%dma_start3A_237 : memref<10000x128xf32, #tpu.memory_space<vmem_shared>>) offsets(%dma_start3A_234 : memref<128xi32, #tpu.memory_space<vmem>>) semaphore(%dma_start3A_239 : memref<!tpu.dma_semaphore, #tpu.memory_space<semaphore_mem>>) {add = true}
      %while3A_240 = arith.constant 0 : i32
      scf.yield %while3A_240 : i32
    }
    %dma_wait3A = arith.constant 0 : i32
    %dma_wait3A_123 = arith.constant 0 : i32
    %dma_wait3A_124 = arith.constant 1 : i32
    %dma_wait3A_125 = arith.constant 0 : i32
    %dma_wait3A_126 = arith.constant 0 : i32
    %dma_wait3A_127 = arith.constant 0 : i32
    %dma_wait3A_128 = tpu.memref_slice %arg6[%dma_wait3A, %dma_wait3A_126, %dma_wait3A_127] : memref<3x128x128xf32, #tpu.memory_space<vmem>> -> memref<1x128x128xf32, #tpu.memory_space<vmem>>
    %dma_wait3A_129 = tpu.memref_squeeze %dma_wait3A_128 : memref<1x128x128xf32, #tpu.memory_space<vmem>> -> memref<128x128xf32, #tpu.memory_space<vmem>>
    %dma_wait3A_130 = arith.constant 0 : i32
    %dma_wait3A_131 = tpu.memref_slice %arg7[%dma_wait3A_123, %dma_wait3A_124, %dma_wait3A_130] : memref<3x2x128xi32, #tpu.memory_space<vmem>> -> memref<1x1x128xi32, #tpu.memory_space<vmem>>
    %dma_wait3A_132 = tpu.memref_squeeze %dma_wait3A_131 : memref<1x1x128xi32, #tpu.memory_space<vmem>> -> memref<128xi32, #tpu.memory_space<vmem>>
    %dma_wait3A_133 = arith.constant 0 : i32
    %dma_wait3A_134 = arith.constant 0 : i32
    %dma_wait3A_135 = tpu.memref_slice %arg5[%dma_wait3A_133, %dma_wait3A_134] : memref<10000x128xf32, #tpu.memory_space<vmem_shared>> -> memref<10000x128xf32, #tpu.memory_space<vmem_shared>>
    %dma_wait3A_136 = tpu.memref_slice %arg10[%dma_wait3A_125] : memref<3x!tpu.dma_semaphore, #tpu.memory_space<semaphore_mem>> -> memref<1x!tpu.dma_semaphore, #tpu.memory_space<semaphore_mem>>
    %dma_wait3A_137 = tpu.memref_squeeze %dma_wait3A_136 : memref<1x!tpu.dma_semaphore, #tpu.memory_space<semaphore_mem>> -> memref<!tpu.dma_semaphore, #tpu.memory_space<semaphore_mem>>
    tpu.wait_indirect_dma semaphore(%dma_wait3A_137 : memref<!tpu.dma_semaphore, #tpu.memory_space<semaphore_mem>>) src(%dma_wait3A_129 : memref<128x128xf32, #tpu.memory_space<vmem>>) dst(%dma_wait3A_135 : memref<10000x128xf32, #tpu.memory_space<vmem_shared>>)
    %dma_wait3A_138 = arith.constant 1 : i32
    %dma_wait3A_139 = arith.constant 1 : i32
    %dma_wait3A_140 = arith.constant 1 : i32
    %dma_wait3A_141 = arith.constant 1 : i32
    %dma_wait3A_142 = arith.constant 0 : i32
    %dma_wait3A_143 = arith.constant 0 : i32
    %dma_wait3A_144 = tpu.memref_slice %arg6[%dma_wait3A_138, %dma_wait3A_142, %dma_wait3A_143] : memref<3x128x128xf32, #tpu.memory_space<vmem>> -> memref<1x128x128xf32, #tpu.memory_space<vmem>>
    %dma_wait3A_145 = tpu.memref_squeeze %dma_wait3A_144 : memref<1x128x128xf32, #tpu.memory_space<vmem>> -> memref<128x128xf32, #tpu.memory_space<vmem>>
    %dma_wait3A_146 = arith.constant 0 : i32
    %dma_wait3A_147 = tpu.memref_slice %arg7[%dma_wait3A_139, %dma_wait3A_140, %dma_wait3A_146] : memref<3x2x128xi32, #tpu.memory_space<vmem>> -> memref<1x1x128xi32, #tpu.memory_space<vmem>>
    %dma_wait3A_148 = tpu.memref_squeeze %dma_wait3A_147 : memref<1x1x128xi32, #tpu.memory_space<vmem>> -> memref<128xi32, #tpu.memory_space<vmem>>
    %dma_wait3A_149 = arith.constant 0 : i32
    %dma_wait3A_150 = arith.constant 0 : i32
    %dma_wait3A_151 = tpu.memref_slice %arg5[%dma_wait3A_149, %dma_wait3A_150] : memref<10000x128xf32, #tpu.memory_space<vmem_shared>> -> memref<10000x128xf32, #tpu.memory_space<vmem_shared>>
    %dma_wait3A_152 = tpu.memref_slice %arg10[%dma_wait3A_141] : memref<3x!tpu.dma_semaphore, #tpu.memory_space<semaphore_mem>> -> memref<1x!tpu.dma_semaphore, #tpu.memory_space<semaphore_mem>>
    %dma_wait3A_153 = tpu.memref_squeeze %dma_wait3A_152 : memref<1x!tpu.dma_semaphore, #tpu.memory_space<semaphore_mem>> -> memref<!tpu.dma_semaphore, #tpu.memory_space<semaphore_mem>>
    tpu.wait_indirect_dma semaphore(%dma_wait3A_153 : memref<!tpu.dma_semaphore, #tpu.memory_space<semaphore_mem>>) src(%dma_wait3A_145 : memref<128x128xf32, #tpu.memory_space<vmem>>) dst(%dma_wait3A_151 : memref<10000x128xf32, #tpu.memory_space<vmem_shared>>)
    %dma_wait3A_154 = arith.constant 2 : i32
    %dma_wait3A_155 = arith.constant 2 : i32
    %dma_wait3A_156 = arith.constant 1 : i32
    %dma_wait3A_157 = arith.constant 2 : i32
    %dma_wait3A_158 = arith.constant 0 : i32
    %dma_wait3A_159 = arith.constant 0 : i32
    %dma_wait3A_160 = tpu.memref_slice %arg6[%dma_wait3A_154, %dma_wait3A_158, %dma_wait3A_159] : memref<3x128x128xf32, #tpu.memory_space<vmem>> -> memref<1x128x128xf32, #tpu.memory_space<vmem>>
    %dma_wait3A_161 = tpu.memref_squeeze %dma_wait3A_160 : memref<1x128x128xf32, #tpu.memory_space<vmem>> -> memref<128x128xf32, #tpu.memory_space<vmem>>
    %dma_wait3A_162 = arith.constant 0 : i32
    %dma_wait3A_163 = tpu.memref_slice %arg7[%dma_wait3A_155, %dma_wait3A_156, %dma_wait3A_162] : memref<3x2x128xi32, #tpu.memory_space<vmem>> -> memref<1x1x128xi32, #tpu.memory_space<vmem>>
    %dma_wait3A_164 = tpu.memref_squeeze %dma_wait3A_163 : memref<1x1x128xi32, #tpu.memory_space<vmem>> -> memref<128xi32, #tpu.memory_space<vmem>>
    %dma_wait3A_165 = arith.constant 0 : i32
    %dma_wait3A_166 = arith.constant 0 : i32
    %dma_wait3A_167 = tpu.memref_slice %arg5[%dma_wait3A_165, %dma_wait3A_166] : memref<10000x128xf32, #tpu.memory_space<vmem_shared>> -> memref<10000x128xf32, #tpu.memory_space<vmem_shared>>
    %dma_wait3A_168 = tpu.memref_slice %arg10[%dma_wait3A_157] : memref<3x!tpu.dma_semaphore, #tpu.memory_space<semaphore_mem>> -> memref<1x!tpu.dma_semaphore, #tpu.memory_space<semaphore_mem>>
    %dma_wait3A_169 = tpu.memref_squeeze %dma_wait3A_168 : memref<1x!tpu.dma_semaphore, #tpu.memory_space<semaphore_mem>> -> memref<!tpu.dma_semaphore, #tpu.memory_space<semaphore_mem>>
    tpu.wait_indirect_dma semaphore(%dma_wait3A_169 : memref<!tpu.dma_semaphore, #tpu.memory_space<semaphore_mem>>) src(%dma_wait3A_161 : memref<128x128xf32, #tpu.memory_space<vmem>>) dst(%dma_wait3A_167 : memref<10000x128xf32, #tpu.memory_space<vmem_shared>>)
    %barrier3A_170 = arith.constant 0 : index
    tpu.barrier barrier_id(%barrier3A_170)
    %mul3A_171 = arith.constant 10000 : i32
    %mul3A_172 = arith.muli %arg0, %mul3A_171 : i32
    %mul3A_173 = arith.constant 624 : i32
    %mul3A_174 = arith.muli %arg1, %mul3A_173 : i32
    %add3A_175 = arith.addi %mul3A_172, %mul3A_174 : i32
    %mul3A_176 = arith.constant 624 : i32
    %mul3A_177 = arith.muli %arg1, %mul3A_176 : i32
    "tpu.region"() ({
      %run_scoped3A_183 = tpu.sem_alloc : memref<!tpu.dma_semaphore, #tpu.memory_space<semaphore_mem>>
      %dma_start3A_184 = arith.constant 0 : i32
      %dma_start3A_185 = tpu.memref_slice %arg4[%add3A_175, %dma_start3A_184] : memref<20000x128xf32, #tpu.memory_space<hbm>> -> memref<624x128xf32, #tpu.memory_space<hbm>>
      %dma_start3A_186 = arith.constant 0 : i32
      %dma_start3A_187 = tpu.memref_slice %arg5[%mul3A_177, %dma_start3A_186] : memref<10000x128xf32, #tpu.memory_space<vmem_shared>> -> memref<624x128xf32, #tpu.memory_space<vmem_shared>>
      tpu.enqueue_dma source(%dma_start3A_187 : memref<624x128xf32, #tpu.memory_space<vmem_shared>>) target(%dma_start3A_185 : memref<624x128xf32, #tpu.memory_space<hbm>>) target_semaphore(%run_scoped3A_183 : memref<!tpu.dma_semaphore, #tpu.memory_space<semaphore_mem>>)
      %dma_wait3A_188 = arith.constant 0 : i32
      %dma_wait3A_189 = tpu.memref_slice %arg4[%add3A_175, %dma_wait3A_188] : memref<20000x128xf32, #tpu.memory_space<hbm>> -> memref<624x128xf32, #tpu.memory_space<hbm>>
      %dma_wait3A_190 = arith.constant 0 : i32
      %dma_wait3A_191 = tpu.memref_slice %arg5[%mul3A_177, %dma_wait3A_190] : memref<10000x128xf32, #tpu.memory_space<vmem_shared>> -> memref<624x128xf32, #tpu.memory_space<vmem_shared>>
      tpu.wait_dma2 semaphore(%run_scoped3A_183 : memref<!tpu.dma_semaphore, #tpu.memory_space<semaphore_mem>>) src(%dma_wait3A_191 : memref<624x128xf32, #tpu.memory_space<vmem_shared>>) dst(%dma_wait3A_189 : memref<624x128xf32, #tpu.memory_space<hbm>>)
      tpu.yield
    }) : () -> ()
    %eq3A_178 = arith.constant 15 : i32
    %eq3A_179 = arith.cmpi eq, %arg1, %eq3A_178 : i32
    %convert_element_type3A_180 = arith.extui %eq3A_179 : i1 to i32
    %cond3A_181 = arith.constant 0 : i32
    %cond3A_182 = arith.cmpi ne, %convert_element_type3A_180, %cond3A_181 : i32
    scf.if %cond3A_182 {
      %mul3A_183 = arith.constant 10000 : i32
      %mul3A_184 = arith.muli %arg0, %mul3A_183 : i32
      %add3A_185 = arith.constant 9984 : i32
      %add3A_186 = arith.addi %mul3A_184, %add3A_185 : i32
      "tpu.region"() ({
        %run_scoped3A_187 = tpu.sem_alloc : memref<!tpu.dma_semaphore, #tpu.memory_space<semaphore_mem>>
        %dma_start3A_188 = arith.constant 0 : i32
        %dma_start3A_189 = tpu.memref_slice %arg4[%add3A_186, %dma_start3A_188] : memref<20000x128xf32, #tpu.memory_space<hbm>> -> memref<16x128xf32, #tpu.memory_space<hbm>>
        %dma_start3A_190 = arith.constant 9984 : i32
        %dma_start3A_191 = arith.constant 0 : i32
        %dma_start3A_192 = tpu.memref_slice %arg5[%dma_start3A_190, %dma_start3A_191] : memref<10000x128xf32, #tpu.memory_space<vmem_shared>> -> memref<16x128xf32, #tpu.memory_space<vmem_shared>>
        tpu.enqueue_dma source(%dma_start3A_192 : memref<16x128xf32, #tpu.memory_space<vmem_shared>>) target(%dma_start3A_189 : memref<16x128xf32, #tpu.memory_space<hbm>>) target_semaphore(%run_scoped3A_187 : memref<!tpu.dma_semaphore, #tpu.memory_space<semaphore_mem>>)
        %dma_wait3A_193 = arith.constant 0 : i32
        %dma_wait3A_194 = tpu.memref_slice %arg4[%add3A_186, %dma_wait3A_193] : memref<20000x128xf32, #tpu.memory_space<hbm>> -> memref<16x128xf32, #tpu.memory_space<hbm>>
        %dma_wait3A_195 = arith.constant 9984 : i32
        %dma_wait3A_196 = arith.constant 0 : i32
        %dma_wait3A_197 = tpu.memref_slice %arg5[%dma_wait3A_195, %dma_wait3A_196] : memref<10000x128xf32, #tpu.memory_space<vmem_shared>> -> memref<16x128xf32, #tpu.memory_space<vmem_shared>>
        tpu.wait_dma2 semaphore(%run_scoped3A_187 : memref<!tpu.dma_semaphore, #tpu.memory_space<semaphore_mem>>) src(%dma_wait3A_197 : memref<16x128xf32, #tpu.memory_space<vmem_shared>>) dst(%dma_wait3A_194 : memref<16x128xf32, #tpu.memory_space<hbm>>)
        tpu.yield
      }) : () -> ()
    } else {
    }
    return
  }
}

module attributes {stable_mosaic.version = 14 : i64} {
  func.func @body(%arg0: i32, %arg1: memref<2000x128xf32, #tpu.memory_space<vmem>>, %arg2: memref<2000x128xf32, #tpu.memory_space<vmem>>, %arg3: memref<2000x16xf32, #tpu.memory_space<vmem>>, %arg4: memref<128x16xf32, #tpu.memory_space<vmem>>, %arg5: memref<128x128xf32, #tpu.memory_space<vmem>>, %arg6: memref<2000x128xf32, #tpu.memory_space<vmem>>) attributes {dimension_semantics = [#tpu.dimension_semantics<arbitrary>], iteration_bounds = array<i64: 5>, scalar_prefetch = 0 : i64, scratch_operands = 0 : i64, tpu.core_type = #tpu.core_type<tc>, window_params = [{transform_indices = @transform_0, window_bounds = array<i64: 2000, 128>}, {transform_indices = @transform_1, window_bounds = array<i64: 2000, 128>}, {transform_indices = @transform_2, window_bounds = array<i64: 2000, 16>}, {pipeline_mode = #tpu.pipeline_mode<synchronous>, transform_indices = @transform_3, window_bounds = array<i64: 128, 16>}, {pipeline_mode = #tpu.pipeline_mode<synchronous>, transform_indices = @transform_4, window_bounds = array<i64: 128, 128>}, {transform_indices = @transform_5, window_bounds = array<i64: 2000, 128>}]} {
    %get3A = arith.constant 0 : index
    %get3A_0 = arith.constant 0 : index
    %get3A_1 = vector.load %arg1[%get3A, %get3A_0] : memref<2000x128xf32, #tpu.memory_space<vmem>>, vector<2000x128xf32>
    %get3A_2 = arith.constant 0 : index
    %get3A_3 = arith.constant 0 : index
    %get3A_4 = vector.load %arg2[%get3A_2, %get3A_3] : memref<2000x128xf32, #tpu.memory_space<vmem>>, vector<2000x128xf32>
    %add3A = arith.addf %get3A_1, %get3A_4 : vector<2000x128xf32>
    %mul3A = arith.constant 0.176776692 : f32
    %mul3A_5 = vector.broadcast %mul3A : f32 to vector<2000x128xf32>
    %mul3A_6 = arith.mulf %add3A, %mul3A_5 : vector<2000x128xf32>
    %get3A_7 = arith.constant 0 : index
    %get3A_8 = arith.constant 0 : index
    %get3A_9 = vector.load %arg3[%get3A_7, %get3A_8] : memref<2000x16xf32, #tpu.memory_space<vmem>>, vector<2000x16xf32>
    %get3A_10 = arith.constant 0 : index
    %get3A_11 = arith.constant 0 : index
    %get3A_12 = vector.load %arg4[%get3A_10, %get3A_11] : memref<128x16xf32, #tpu.memory_space<vmem>>, vector<128x16xf32>
    %dot_general3A = arith.constant dense<0.000000e+00> : vector<2000x128xf32>
    %dot_general3A_13 = tpu.matmul %get3A_9, %get3A_12, %dot_general3A {dimension_numbers = #tpu.dot_dimension_numbers<[1], [1], [0], [0], [0, 0, 1, 0], [], []>, transpose_lhs_hint = false} : vector<2000x16xf32>, vector<128x16xf32>, vector<2000x128xf32> -> vector<2000x128xf32>
    %mul3A_14 = arith.mulf %mul3A_6, %dot_general3A_13 : vector<2000x128xf32>
    %get3A_15 = arith.constant 0 : index
    %get3A_16 = arith.constant 0 : index
    %get3A_17 = vector.load %arg5[%get3A_15, %get3A_16] : memref<128x128xf32, #tpu.memory_space<vmem>>, vector<128x128xf32>
    %dot_general3A_18 = arith.constant dense<0.000000e+00> : vector<2000x128xf32>
    %dot_general3A_19 = tpu.matmul %mul3A_14, %get3A_17, %dot_general3A_18 {dimension_numbers = #tpu.dot_dimension_numbers<[1], [0], [0], [1], [0, 0, 1, 1], [], []>, transpose_lhs_hint = false} : vector<2000x128xf32>, vector<128x128xf32>, vector<2000x128xf32> -> vector<2000x128xf32>
    %logistic3A = arith.negf %dot_general3A_19 : vector<2000x128xf32>
    %logistic3A_20 = math.exp %logistic3A : vector<2000x128xf32>
    %logistic3A_21 = arith.constant 1.000000e+00 : f32
    %logistic3A_22 = vector.broadcast %logistic3A_21 : f32 to vector<2000x128xf32>
    %logistic3A_23 = arith.addf %logistic3A_22, %logistic3A_20 : vector<2000x128xf32>
    %logistic3A_24 = arith.divf %logistic3A_22, %logistic3A_23 : vector<2000x128xf32>
    %mul3A_25 = arith.mulf %dot_general3A_19, %logistic3A_24 : vector<2000x128xf32>
    %swap3A = arith.constant 0 : index
    %swap3A_26 = arith.constant 0 : index
    %swap3A_27 = vector.load %arg6[%swap3A, %swap3A_26] : memref<2000x128xf32, #tpu.memory_space<vmem>>, vector<2000x128xf32>
    tpu.vector_store %arg6[%swap3A, %swap3A_26], %mul3A_25 {strides = array<i32>} : memref<2000x128xf32, #tpu.memory_space<vmem>>, vector<2000x128xf32>,
    return
  }
  func.func @transform_0(%arg0: i32) -> (i32, i32) {
    %c0_i32 = arith.constant 0 : i32
    %c0_i32_0 = arith.constant 0 : i32
    return %arg0, %c0_i32 : i32, i32
  }
  func.func @transform_1(%arg0: i32) -> (i32, i32) {
    %add3A = arith.constant 5 : i32
    %add3A_0 = arith.addi %arg0, %add3A : i32
    %c0_i32 = arith.constant 0 : i32
    %c0_i32_1 = arith.constant 0 : i32
    return %add3A_0, %c0_i32 : i32, i32
  }
  func.func @transform_2(%arg0: i32) -> (i32, i32) {
    %c0_i32 = arith.constant 0 : i32
    %c0_i32_0 = arith.constant 0 : i32
    return %arg0, %c0_i32 : i32, i32
  }
  func.func @transform_3(%arg0: i32) -> (i32, i32) {
    %c0_i32 = arith.constant 0 : i32
    %c0_i32_0 = arith.constant 0 : i32
    %c0_i32_1 = arith.constant 0 : i32
    return %c0_i32, %c0_i32_0 : i32, i32
  }
  func.func @transform_4(%arg0: i32) -> (i32, i32) {
    %c0_i32 = arith.constant 0 : i32
    %c0_i32_0 = arith.constant 0 : i32
    %c0_i32_1 = arith.constant 0 : i32
    return %c0_i32, %c0_i32_0 : i32, i32
  }
  func.func @transform_5(%arg0: i32) -> (i32, i32) {
    %c0_i32 = arith.constant 0 : i32
    %c0_i32_0 = arith.constant 0 : i32
    return %arg0, %c0_i32 : i32, i32
  }
}

</mosaic_0001>

<sc_bundles>
// kernel: kernel.4.cloned.1.call-start
scs
__scs_entry_jumppad:
0x0: {  	(pc) =	sbr.rel $0x88, $3  }
0x1: {  	(tag) =	ssettag $0x0;
	lr =	simm.s32 $0x1  }
0x2: {  	[smem:$0x3F9C] =	sst lr;
	_ =	strace $0xD0000000  }
0x3: {  	_ = 	snop  }
0x4: {  	_ = 	snop  }
0x5: {  	_ = 	snop  }
0x6: {  	_ = 	snop  }
0x7: {  	_ = 	snop  }
__scs_overlays_trampoline_lowered:
0x8: {  	[smem:$0x3FAB] =	sst s0  }
0x9: {  	[smem:$0x3FAC] =	sst s1  }
0xa: {  	[smem:$0x3FAD] =	sst s2  }
0xb: {  	[smem:$0x3FAE] =	sst s3  }
0xc: {  	[smem:$0x3FAF] =	sst s4  }
0xd: {  	[smem:$0x3FB0] =	sst s5  }
0xe: {  	[smem:$0x3FB1] =	sst s6  }
0xf: {  	[smem:$0x3FB2] =	sst s7  }
0x10: {  	[smem:$0x3FB3] =	sst s8  }
0x11: {  	[smem:$0x3FB4] =	sst s9;
	s0 =	simm.s32 @!p0 $0x0  }
0x12: {  	s1 =	sld [smem:$0x3F9A];
	s0 =	simm.s32 @p0 $0x1  }
0x13: {  	[smem:$0x3FB5] =	sst s0;
	s0 =	simm.s32 @!p1 $0x0  }
0x14: {  	s2 =	sld [smem:$0x3F99];
	s0 =	simm.s32 @p1 $0x1  }
0x15: {  	[smem:$0x3FB6] =	sst s0;
	s0 =	simm.s32 @!p2 $0x0  }
0x16: {  	s3 =	sld [smem:$0x3FDB];
	s0 =	simm.s32 @p2 $0x1  }
0x17: {  	s4 =	simm.s32 $0x1BF5;
	[smem:$0x3FB8] =	sst s0  }
0x18: {  	s0 =	sld [smem:$0x3F9B];
	_ =	swait.ge [sflag:s4], $0x0  }
0x19: {  	s7 =	sld [smem:$0x3F9C]  }
0x1a: {  	s8 =	sadd.s32 $0xFFFFE003, lr  }
0x1b: {  	s9 =	sadd.s32 $0xFFFFFEF7, lr;
	s5 =	simm.s32 $0xFFFFFFFF;
	p2 =	slt.u32 s8, $0xFFFFF086  }
0x1c: {  	p1 =	slt.u32 s9, $0xF7A;
	s5 =	simm.s32 @!p2 $0x0  }
0x1d: {  	s5 =	simm.s32 @p1 $0x1;
	p0 =	seq.s32 s7, s2  }
0x1e: {  	s7 =	smul.u32 @!p0 $0xF7A, s2;
	p2 =	seq.s32 @!p0 s5, $0x0  }
0x1f: {  	s9 =	smul.u32 $0xF7A, s1;
	s8 =	simm.s32 @!p0 $0x1BF5;
	p2 =	por !p2, p0  }
0x20: {  	[sflag:s8] =	ssyncset.s32 @!p0 $0xFFFFF086;
	s6 =	sadd.s32 @!p0 s3, s7;
	s7 =	simm.s32 @!p0 $0x108  }
0x21: {  	s3 =	sadd.s32 s3, s9;
	s6 =	sadd.s32 @!p0 $0x88, s6;
	s7 =	simm.s32 @p2 $0x1082  }
0x22: {  	[simem:s7], [sflag:s8] =	dma.local @!p0 [hbm:s6], $0xF7A  }
0x23: {  	s9 =	sor.u32 $0xD0000000, s2;
	s6 =	simm.s32 $0x108;
	_ =	swait.ge @!p0 [sflag:s8], $0x0  }
0x24: {  	s3 =	sadd.s32 $0x88, s3;
	s6 =	simm.s32 @!p1 $0x1082;
	[sflag:s4] =	ssyncset.s32 $0xFFFFF086  }
0x25: {  	[simem:s6], [sflag:s4] =	dma.local [hbm:s3], $0xF7A  }
0x26: {  	[smem:$0x3F9C] =	sst s1;
	(tag) =	ssettag s2;
	_ =	strace s9  }
0x27: {  	s1 =	sld [smem:$0x3FAC]  }
0x28: {  	s2 =	sld [smem:$0x3FAD]  }
0x29: {  	s4 =	sld [smem:$0x3FAF]  }
0x2a: {  	p0 =	seq.s32 s5, $0x0;
	s5 =	sld [smem:$0x3FB0]  }
0x2b: {  	s6 =	sld [smem:$0x3FB1]  }
0x2c: {  	s7 =	sld [smem:$0x3FB2]  }
0x2d: {  	s3 =	simm.s32 $0x108;
	s8 =	sld [smem:$0x3FB3]  }
0x2e: {  	s3 =	simm.s32 @!p0 $0x1082;
	s9 =	sld [smem:$0x3FB4]  }
0x2f: {  	lr =	sadd.s32 s0, s3;
	s0 =	sld [smem:$0x3FAB]  }
0x30: {  	s3 =	sld [smem:$0x3FAE]  }
0x31: {  	[smem:$0x3FB7] =	sst s10  }
0x32: {  	s10 =	sld [smem:$0x3FB5];
	_ =	sdelay $0x3  }
0x33: {  	p0 =	seq.s32 s10, $0x1;
	s10 =	sld [smem:$0x3FB7];
	_ =	sdelay $0x3  }
0x34: {  	[smem:$0x3FB7] =	sst s10  }
0x35: {  	s10 =	sld [smem:$0x3FB6];
	_ =	sdelay $0x3  }
0x36: {  	p1 =	seq.s32 s10, $0x1;
	s10 =	sld [smem:$0x3FB7];
	_ =	sdelay $0x3  }
0x37: {  	[smem:$0x3FB7] =	sst s10  }
0x38: {  	s10 =	sld [smem:$0x3FB8]  }
0x39: {  	_ = 	snop;
	(pc) =	sbr.ind lr, $3  }
0x3a: {  	_ = 	snop  }
0x3b: {  	_ = 	snop  }
0x3c: {  	p2 =	seq.s32 s10, $0x1;
	s10 =	sld [smem:$0x3FB7]  }
0x3d: {  	_ =	shalt  }
0x3e: {  	_ =	shalt  }
0x3f: {  	_ =	shalt  }
0x40: {  	_ =	shalt  }
0x41: {  	_ =	shalt  }
0x42: {  	_ =	shalt  }
0x43: {  	_ =	shalt  }
0x44: {  	_ =	shalt  }
0x45: {  	_ =	shalt  }
0x46: {  	_ =	shalt  }
0x47: {  	_ =	shalt  }
0x48: {  	_ =	shalt  }
0x49: {  	_ =	shalt  }
0x4a: {  	_ =	shalt  }
0x4b: {  	_ =	shalt  }
0x4c: {  	_ =	shalt  }
0x4d: {  	_ =	shalt  }
0x4e: {  	_ =	shalt  }
0x4f: {  	_ =	shalt  }
0x50: {  	_ =	shalt  }
0x51: {  	_ =	shalt  }
0x52: {  	_ =	shalt  }
0x53: {  	_ =	shalt  }
0x54: {  	_ =	shalt  }
0x55: {  	_ =	shalt  }
0x56: {  	_ =	shalt  }
0x57: {  	_ =	shalt  }
0x58: {  	_ =	shalt  }
0x59: {  	_ =	shalt  }
0x5a: {  	_ =	shalt  }
0x5b: {  	_ =	shalt  }
0x5c: {  	_ =	shalt  }
0x5d: {  	_ =	shalt  }
0x5e: {  	_ =	shalt  }
0x5f: {  	_ =	shalt  }
0x60: {  	_ =	shalt  }
0x61: {  	_ =	shalt  }
0x62: {  	_ =	shalt  }
0x63: {  	_ =	shalt  }
0x64: {  	_ =	shalt  }
0x65: {  	_ =	shalt  }
0x66: {  	_ =	shalt  }
0x67: {  	_ =	shalt  }
0x68: {  	_ =	shalt  }
0x69: {  	_ =	shalt  }
0x6a: {  	_ =	shalt  }
0x6b: {  	_ =	shalt  }
0x6c: {  	_ =	shalt  }
0x6d: {  	_ =	shalt  }
0x6e: {  	_ =	shalt  }
0x6f: {  	_ =	shalt  }
0x70: {  	_ =	shalt  }
0x71: {  	_ =	shalt  }
0x72: {  	_ =	shalt  }
0x73: {  	_ =	shalt  }
0x74: {  	_ =	shalt  }
0x75: {  	_ =	shalt  }
0x76: {  	_ =	shalt  }
0x77: {  	_ =	shalt  }
0x78: {  	_ =	shalt  }
0x79: {  	_ =	shalt  }
0x7a: {  	_ =	shalt  }
0x7b: {  	_ =	shalt  }
0x7c: {  	_ =	shalt  }
0x7d: {  	_ =	shalt  }
0x7e: {  	_ =	shalt  }
0x7f: {  	_ =	shalt  }
0x80: {  	_ =	shalt  }
0x81: {  	_ =	shalt  }
0x82: {  	_ =	shalt  }
0x83: {  	_ =	shalt  }
0x84: {  	_ =	shalt  }
0x85: {  	_ =	shalt  }
0x86: {  	_ =	shalt  }
0x87: {  	_ =	shalt  }
.Lfunc_end0:
.L_simem_size_0:
called_computation_lowered:
.L_overlay_start_0:
0x88: {  	s2 =	sld [smem:$0x3FD9]  }
0x89: {  	s3 =	sld [smem:$0x3FFE];
	_ =	sdelay $0x1  }
0x8a: {  	s1 =	srdreg.scid  }
0x8b: {  	s0 =	sand.u32 $0x1, s1  }
0x8c: {  	s17 =	sshll.u32 s0, $0xA;
	s2 =	sadd.s32 s3, s2  }
0x8d: {  	s2 =	sadd.s32 s2, s17  }
0x8e: {  	[smem:$0x3FC3] =	sst s2  }
0x8f: {  	_ = 	snop  }
0x90: {  	s2 =	sld [smem:$0x3FC8]  }
0x91: {  	s18 =	sld [smem:$0x3FC7];
	(tm) =	ssettm $0x1  }
0x92: {  	s4 =	sld [smem:$0x3FFB];
	_ =	sdelay $0x3  }
0x93: {  	_ =	strace s4  }
0x94: {  	s4 =	sld [smem:$0x3FFC];
	_ =	sdelay $0x3  }
0x95: {  	_ =	strace s4  }
0x96: {  	s4 =	sld [smem:$0x3FFD];
	_ =	sdelay $0x3  }
0x97: {  	_ =	strace s4  }
0x98: {  	_ =	strace $0x8FFFFFFF  }
0x99: {  	s19 =	sld [smem:$0x3FDB];
	_ =	sdelay $0x1  }
0x9a: {  	s5 =	simm.s32 $_scs_section_size  }
0x9b: {  	s6 =	simm.s32 $_size__tile_overlayer_lowered;
	s7 =	simm.s32 $_tile_overlayer_lowered  }
0x9c: {  	s22 =	simm.s32 $0x1BFF;
	s21 =	sshll.u32 s7, $0x1;
	s4 =	sadd.s32 s5, s19  }
0x9d: {  	s8 =	simm.s32 $0x0;
	s20 =	sshll.u32 s6, $0x1;
	s6 =	sadd.s32 s21, s4  }
0x9e: {  	[timem:s8], [sflag:s22] =	dma.local [hbm:s6], s20  }
0x9f: {  	_ =	swait.ge [sflag:s22], s20  }
0xa0: {  	s5 =	ssub.s32 $0x0, s20;
	[sflag:s22] =	ssyncset.done $0x0  }
0xa1: {  	[sflag:s22] =	ssyncadd.s32 s5;
	_ =	sdelay $0x1  }
0xa2: {  	s23 =	simm.s32 $0x1B8B  }
0xa3: {  	_ =	swait.ge [sflag:s23], $0x1  }
0xa4: {  	[sflag:s23] =	ssyncset.done $0x0  }
0xa5: {  	s25 =	simm.s32 $0x1B8E;
	s24 =	sld [smem:$0x3FFE];
	[sflag:s23] =	ssyncadd.s32 $0xFFFFFFFF  }
0xa6: {  	s26 =	simm.s32 $execute0_lowered;
	[smem:$0x3FD2] =	sst s25  }
0xa7: {  	s6 =	sshll.u32 s26, $0x1;
	_ =	strace $0x80000046;
	[dreg:$0x1] =	wrdreg $0xFFFFFFFF  }
0xa8: {  	s28 =	simm.s32 $_size_execute0_lowered;
	s4 =	sadd.s32 s4, s6;
	[dreg:$0x0] =	wrdreg $0x0  }
0xa9: {  	s6 =	sshll.u32 s28, $0x1;
	[dreg:$0x2] =	wrdreg s4  }
0xaa: {  	[dreg:$0x3] =	wrdreg s6  }
0xab: {  	[dreg:$0x4] =	wrdreg $0xC0  }
0xac: {  	_ =	task [dreg:s8], $0x5FFFF  }
0xad: {  	[dreg:$0x1] =	wrdreg $0xFFFFFFFF  }
0xae: {  	[dreg:$0x0] =	wrdreg $0x60  }
0xaf: {  	[dreg:$0x2] =	wrdreg s2  }
0xb0: {  	[dreg:$0x3] =	wrdreg s18  }
0xb1: {  	[dreg:$0x4] =	wrdreg s24  }
0xb2: {  	[dreg:$0x5] =	wrdreg $0x0  }
0xb3: {  	[dreg:$0x6] =	wrdreg $0x9  }
0xb4: {  	_ =	task.clear_ibuf [dreg:s8], $0x7FFFF;
	_ =	strace $0x90000046  }
0xb5: {  	s29 =	simm.s32 $0x9;
	_ =	strace $0x80000048  }
0xb6: {  	_ =	swait.ge [sflag:s29], $0x1  }
0xb7: {  	[sflag:s29] =	ssyncadd.s32 $0xFFFFFFFF  }
0xb8: {  	_ =	strace $0x90000048  }
0xb9: {  	_ =	sfence  }
0xba: {  	s30 =	sld [smem:$0x0];
	_ =	sdelay $0x2  }
0xbb: {  	s31 =	sshll.u32 s1, $0xD;
	s1 =	sshrl.u32 s1, $0x2  }
0xbc: {  	s3 =	sand.u32 $0x4000, s31;
	s1 =	sadd.s32 s1, s30  }
0xbd: {  	s0 =	sor.u32 s3, s0;
	s1 =	sshll.u32 s1, $0x11  }
0xbe: {  	s0 =	sor.u32 s1, s0  }
0xbf: {  	s0 =	sadd.s32 $0x8F2B, s0  }
0xc0: {  	[sflag:s0] =	ssyncadd.remote.s32 $0x1  }
0xc1: {  	_ =	sfence.sel $0xFFFF  }
0xc2: {  	[dreg:$0x0] =	wrdreg $0xFFFFFFFF;
	(pc) =	sbr.abs _section_cstart, $3  }
0xc3: {  	[dreg:$0x1] =	wrdreg $0xFFFFFFFF  }
0xc4: {  	_ =	task.clear_ibuf [dreg:s8], $0x2FFFF;
	_ =	strace $0x9FFFFFFF  }
0xc5: {  	(tm) =	ssettm $0x7FFFFFFF  }
tec
execute0_lowered:
.L_overlay_start_1:
0x0: {  	(tag) =	ssettag $0x1  }
0x1: {  	s0 =	rddreg [dreg:$0x0]  }
0x2: {  	s2 =	rddreg [dreg:$0x1]  }
0x3: {  	s4 =	rddreg [dreg:$0x2]  }
0x4: {  	s1 =	rddreg [dreg:$0x3];
	s3 =	srdreg.scid  }
0x5: {  	s10 =	stileid.u32;
	s28 =	simm.s32 $0x8;
	s29 =	simm.s32 $0x9  }
0x6: {  	s30 =	simm.s32 $0x0;
	s5 =	sand.u32 $0x1, s3;
	s15 =	smul.u32 $0x2700, s10  }
0x7: {  	s3 =	simm.s32 $0x0;
	s16 =	sadd.s32 $0xC00, s4;
	s20 =	smul.u32 $0x4E, s10  }
0x8: {  	s4 =	simm.s32 $0x4F;
	s14 =	sadd.s32 $0x138000, s1;
	s19 =	smul.u32 $0x27100, s5  }
0x9: {  	s6 =	sshll.u32 s5, $0x4;
	[smem:$0x7FF] =	sst s3;
	s13 =	smul.u32 $0x138800, s5  }
0xa: {  	s7 =	ssub.s32 $0x2, s5;
	s5 =	smul.u32 $0x4E0, s5;
	s6 =	sor.u32 s10, s6  }
0xb: {  	_ =	strace $0x80000047;
	s26 =	sshrl.u32 s7, $0x1;
	s8 =	smul.u32 $0x4E, s6  }
0xc: {  	s18 =	smin.u32 s6, $0x4;
	s17 =	ssub.s32 s7, s26;
	p0 =	slt.u32 s6, $0x4  }
0xd: {  	s15 =	sadd.s32 s15, s19;
	s5 =	sadd.s32 s20, s5;
	s4 =	simm.s32 @!p0 $0x4E  }
0xe: {  	s25 =	sadd.s32 s16, s15;
	s17 =	smax.u32 s17, $0x1;
	s5 =	sadd.s32 s18, s5  }
0xf: {  	p0 =	sne.s32 s10, $0xF;
	s31 =	sadd.s32 s18, s8;
	[dreg:$0xf] =	wrdreg s25  }
0x10: {  	s26 =	sshll.u32 s4, $0x2;
	s18 =	sshll.u32 s5, $0xB;
	s5 =	sshll.u32 s5, $0x5  }
0x11: {  	s25 =	simm.s32 $0xA;
	s9 =	sshll.u32 s31, $0x5;
	s8 =	sshll.u32 s31, $0x7  }
0x12: {  	s7 =	sshll.u32 s31, $0xB;
	[dreg:$0x6] =	wrdreg s26;
	s31 =	simm.s32 $0x80  }
0x13: {  	s6 =	sadd.s32 s2, s9;
	s11 =	sadd.s32 $0x80, s8;
	[dreg:$0x5] =	wrdreg s31  }
0x14: {  	s9 =	smul.u32 $0x4E000, s10;
	s7 =	sadd.s32 s0, s7;
	[dreg:$0x7] =	wrdreg s6  }
0x15: {  	s26 =	simm.s32 $0x7;
	s8 =	sshrl.u32 s11, $0x2;
	[dreg:$0x8] =	wrdreg s7  }
0x16: {  	s6 =	sshll.u32 s11, $0x4;
	s12 =	sadd.s32 s2, s8;
	s9 =	sshrl.u32 s9, $0x2  }
0x17: {  	s6 =	sadd.s32 s0, s6;
	[dreg:$0x9] =	wrdreg s12;
	s9 =	sadd.s32 s9, s1  }
0x18: {  	s0 =	sadd.s32 s0, s18;
	[dreg:$0xa] =	wrdreg s6;
	s21 =	sadd.s32 $0x4000, s9  }
0x19: {  	s2 =	sadd.s32 s2, s5;
	s22 =	sadd.s32 $0x8000, s9;
	[dreg:$0xb] =	wrdreg s21  }
0x1a: {  	s6 =	sshrl.u32 s13, $0x3;
	s23 =	sadd.s32 $0xC000, s9;
	[dreg:$0xc] =	wrdreg s22  }
0x1b: {  	s24 =	sadd.s32 $0x10000, s9;
	s6 =	sadd.s32 s16, s6;
	[dreg:$0xd] =	wrdreg s23  }
0x1c: {  	s5 =	sadd.s32 $0x1000, s0;
	[dreg:$0xe] =	wrdreg s24;
	s6 =	sadd.s32 $0x27000, s6  }
0x1d: {  	v0 =	vimm.f32 $0.0e+00;
	s23 =	sadd.s32 $0x40, s2;
	s24 =	simm.s32 $0x1B880;
	[dreg:$0x10] =	wrdreg s6  }
.LBB2_1:
0x1e: {  	s0 =	rddreg [dreg:$0x7]  }
0x1f: {  	s15 =	rddreg [dreg:$0x8]  }
0x20: {  	s2 =	simm.s32 $0x1F880;
	s16 =	simm.s32 $0x13880;
	s18 =	rddreg [dreg:$0x9]  }
0x21: {  	[tilespmem:s2], [sflag:$0x1] =	stream.linear.gather [hbm4b:s0+s3], $0x100, $0x38;
	[tilespmem:$0x1FB80] =	vst v63  }
0x22: {  	s19 =	simm.s32 $0x1F980;
	s20 =	rddreg [dreg:$0xa];
	s22 =	sand.u32 $0xFE00, s3  }
0x23: {  	[tilespmem:s16], [sflag:$0x4] =	stream.linear.gather [hbm4b:s15+s3], $0x4000, $0x38;
	[tilespmem:$0x1FB80] =	vst v63  }
0x24: {  	s21 =	simm.s32 $0x17880;
	s31 =	sand.u32 $0x70, s3;
	s6 =	sshrl.u32 s22, $0x2  }
0x25: {  	[tilespmem:s19], [sflag:$0x2] =	stream.linear.gather [hbm4b:s18+s3], $0x100, $0x38;
	[tilespmem:$0x1FB80] =	vst v63  }
0x26: {  	s0 =	simm.s32 $0x40;
	s2 =	simm.s32 $0x0;
	s6 =	sor.u32 s31, s6  }
0x27: {  	[tilespmem:s21], [sflag:$0x5] =	stream.linear.gather [hbm4b:s20+s3], $0x4000, $0x38;
	[tilespmem:$0x1FB80] =	vst v63  }
.LBB2_2:
0x28: {  	p1 =	sne.s32 s0, $0xFFC0  }
0x29: {  	[tilespmem:s6+$0x1B880] =	vst v0;
	s2 =	sadd.s32 $0x10, s2;
	s6 =	smov.u32 s0;
	s0 =	sadd.s32 $0x40, s0  }
.Ltmp0:
0x2a: {  	(pc) =	sbr.rel @p1 .LBB2_2-.Ltmp0, $4  }
0x2b: {  	_ = 	snop  }
0x2c: {  	s6 =	sand.u32 $0xFE00, s6  }
0x2d: {  	s18 =	sand.u32 $0x70, s2;
	s6 =	sshrl.u32 s6, $0x2  }
0x2e: {  	s6 =	sor.u32 s18, s6  }
0x2f: {  	[tilespmem:s6+$0x1B880] =	vst v0  }
0x30: {  	[spmem:s9] =	stream.linear.scatter [tilespmem:s24], [sflag:$0xA], $0x4000, $0x38;
	[tilespmem:$0x1FB80] =	vst v63  }
0x31: {  	_ =	swait.ge [sflag:s25], $0x4000  }
0x32: {  	[sflag:s25] =	ssyncset.done $0x0  }
0x33: {  	s0 =	rddreg [dreg:$0xb];
	[sflag:s25] =	ssyncadd.s32 $0xFFFFC000  }
0x34: {  	[spmem:s0] =	stream.linear.scatter [tilespmem:s24], [sflag:$0xA], $0x4000, $0x38;
	[tilespmem:$0x1FB80] =	vst v63  }
0x35: {  	_ =	swait.ge [sflag:s25], $0x4000  }
0x36: {  	[sflag:s25] =	ssyncset.done $0x0  }
0x37: {  	s20 =	rddreg [dreg:$0xc];
	[sflag:s25] =	ssyncadd.s32 $0xFFFFC000  }
0x38: {  	[spmem:s20] =	stream.linear.scatter [tilespmem:s24], [sflag:$0xA], $0x4000, $0x38;
	[tilespmem:$0x1FB80] =	vst v63  }
0x39: {  	_ =	swait.ge [sflag:s25], $0x4000  }
0x3a: {  	[sflag:s25] =	ssyncset.done $0x0  }
0x3b: {  	s21 =	rddreg [dreg:$0xd];
	[sflag:s25] =	ssyncadd.s32 $0xFFFFC000  }
0x3c: {  	[spmem:s21] =	stream.linear.scatter [tilespmem:s24], [sflag:$0xA], $0x4000, $0x38;
	[tilespmem:$0x1FB80] =	vst v63  }
0x3d: {  	_ =	swait.ge [sflag:s25], $0x4000  }
0x3e: {  	[sflag:s25] =	ssyncset.done $0x0  }
0x3f: {  	s22 =	rddreg [dreg:$0xe];
	[sflag:s25] =	ssyncadd.s32 $0xFFFFC000  }
0x40: {  	[spmem:s22] =	stream.linear.scatter [tilespmem:s24], [sflag:$0xA], $0x3800, $0x38;
	[tilespmem:$0x1FB80] =	vst v63  }
0x41: {  	_ =	swait.ge [sflag:s25], $0x3800  }
0x42: {  	[sflag:s25] =	ssyncset.done $0x0  }
0x43: {  	s0 =	simm.s32 @!p0 $0x1B880;
	[sflag:s25] =	ssyncadd.s32 $0xFFFFC800  }
0x44: {  	[spmem:s14] =	stream.linear.scatter @!p0 [tilespmem:s0], [sflag:$0xA], $0x800, $0x38;
	[tilespmem:$0x1FB80] =	vst v63  }
0x45: {  	s31 =	simm.s32 $0x0;
	s0 =	simm.s32 @!p0 $0xA  }
0x46: {  	s2 =	simm.s32 $0x1FA80;
	s19 =	smov.u32 s23;
	_ =	swait.ge @!p0 [sflag:s0], $0x800  }
0x47: {  	s18 =	smov.u32 s5;
	s6 =	simm.s32 $0x0;
	[sflag:s0] =	ssyncset.done @!p0 $0x0  }
0x48: {  	s20 =	simm.s32 $0x1B880;
	s21 =	simm.s32 $0x13880;
	[sflag:s0] =	ssyncadd.s32 @!p0 $0xFFFFF800  }
0x49: {  	s22 =	simm.s32 $0x1F900;
	s0 =	simm.s32 $0x2;
	[bflag:$0x0] =	sbarrier.arrive $0xFFFF  }
.LBB2_4:
0x4a: {  	s7 =	smulhi.u32 $0xAAAAAAAB, s0;
	_ =	sdelay $0x1  }
0x4b: {  	s13 =	smulhi.u32 $0xAAAAAAAB, s6;
	s7 =	sshrl.u32 s7, $0x1  }
0x4c: {  	p1 =	sge.u32 s0, s4;
	s8 =	smul.u32 $0xFFFFFFF4, s7  }
0x4d: {  	p2 =	seq.s32 @!p1 s31, $0x0;
	s16 =	sshra.s32 @!p1 s31, $0x2;
	s11 =	smul.u32 $0xFFFFF400, s7  }
0x4e: {  	p2 =	por p2, p1;
	s7 =	smul.u32 $0xFFFD0000, s7;
	s8 =	sshra.s32 s8, $0x2  }
0x4f: {  	s13 =	sshrl.u32 s13, $0x1;
	s15 =	sshra.s32 @!p2 s31, $0x2;
	s10 =	sadd.s32 $0x9, s8  }
0x50: {  	s11 =	sshra.s32 s11, $0x2;
	s7 =	sshra.s32 s7, $0x2;
	s10 =	sadd.s32 @!p2 s15, s10  }
0x51: {  	s12 =	sadd.s32 $0x3, s8;
	s8 =	sadd.s32 $0x6, s8;
	_ =	swait.ge @!p2 [sflag:s10], $0x4000  }
0x52: {  	s11 =	sadd.s32 s11, s2;
	s15 =	smul.u32 $0xFFFFFFF4, s13;
	[sflag:s10] =	ssyncset.done @!p2 $0x0  }
0x53: {  	[sflag:s10] =	ssyncadd.s32 @!p2 $0xFFFFC000;
	s10 =	sadd.s32 @!p1 s16, s12;
	s12 =	simm.s32 @!p1 $0x0  }
0x54: {  	[tilespmem:s11], [sflag:s10] =	stream.linear.gather @!p1 [hbm4b:s19+s12], $0x100, $0x38;
	[tilespmem:$0x1FB80] =	vst v63  }
0x55: {  	s7 =	sadd.s32 s7, s20;
	s8 =	sadd.s32 @!p1 s16, s8;
	s10 =	sshra.s32 s15, $0x2  }
0x56: {  	[tilespmem:s7], [sflag:s8] =	stream.linear.gather @!p1 [hbm4b:s18+s12], $0x4000, $0x38;
	[tilespmem:$0x1FB80] =	vst v63  }
0x57: {  	s12 =	sadd.s32 $0x1, s10;
	s8 =	sshra.s32 s31, $0x2  }
0x58: {  	s16 =	smul.u32 $0xFFFD0000, s13;
	s7 =	sadd.s32 s8, s12  }
0x59: {  	_ =	swait.ge [sflag:s7], $0x100  }
0x5a: {  	s15 =	sadd.s32 $0x4, s10;
	s12 =	sshra.s32 s16, $0x2;
	[sflag:s7] =	ssyncset.done $0x0  }
0x5b: {  	[sflag:s7] =	ssyncadd.s32 $0xFFFFFF00;
	s7 =	sadd.s32 s8, s15;
	s15 =	smul.u32 $0xFFFFF400, s13  }
0x5c: {  	s10 =	sadd.s32 $0x7, s10;
	s12 =	sadd.s32 s12, s21;
	_ =	swait.ge [sflag:s7], $0x4000  }
0x5d: {  	s16 =	rddreg [dreg:$0x5];
	s11 =	sshra.s32 s15, $0x2;
	[sflag:s7] =	ssyncset.done $0x0  }
0x5e: {  	s15 =	sadd.s32 s8, s10;
	s11 =	sadd.s32 s11, s22;
	[sflag:s7] =	ssyncadd.s32 $0xFFFFC000  }
0x5f: {  	[spmem:s1] =	stream.indirect.scatter.add.f32 [tilespmem:s12], [sflag:s15], $0x80, s11, s16, $0xb8;
	[tilespmem:$0x1FB80] =	vst v63  }
0x60: {  	s31 =	sadd.s32 $0x4, s31;
	s16 =	rddreg [dreg:$0x6]  }
0x61: {  	p1 =	sne.s32 s16, s31  }
.Ltmp1:
0x62: {  	_ = 	snop;
	(pc) =	sbr.rel @p1 .LBB2_4-.Ltmp1, $4  }
0x63: {  	_ = 	snop  }
0x64: {  	s6 =	sadd.s32 $0x1, s6;
	s0 =	sadd.s32 $0x1, s0  }
0x65: {  	s2 =	sadd.s32 $0x100, s2;
	s20 =	sadd.s32 $0x4000, s20;
	s19 =	sadd.s32 $0x20, s19  }
0x66: {  	s18 =	sadd.s32 $0x800, s18;
	s21 =	sadd.s32 $0x4000, s21;
	s22 =	sadd.s32 $0x100, s22  }
0x67: {  	_ =	swait.ge [sflag:s26], $0x4000  }
0x68: {  	[sflag:s26] =	ssyncset.done $0x0  }
0x69: {  	[sflag:s26] =	ssyncadd.s32 $0xFFFFC000  }
0x6a: {  	_ =	swait.ge [sflag:s28], $0x4000  }
0x6b: {  	[sflag:s28] =	ssyncset.done $0x0  }
0x6c: {  	[sflag:s28] =	ssyncadd.s32 $0xFFFFC000  }
0x6d: {  	_ =	swait.ge [sflag:s29], $0x4000  }
0x6e: {  	[sflag:s29] =	ssyncset.done $0x0  }
0x6f: {  	s0 =	stileid.u32;
	[sflag:s29] =	ssyncadd.s32 $0xFFFFC000  }
0x70: {  	s0 =	sshll.u32 s0, $0x6;
	[bflag:$0x0] =	sbarrier.arrive $0xFFFF  }
0x71: {  	s2 =	sshrl.u32 s9, $0x3;
	s0 =	sor.u32 $0x1C0A, s0;
	s6 =	rddreg [dreg:$0xf]  }
0x72: {  	[hbm:s6], [sflag:s0] =	dma.local [spmem:s2], $0x2700  }
0x73: {  	s30 =	sadd.s32 $0x1, s30;
	_ =	swait.ge [sflag:s25], $0x2700  }
0x74: {  	p1 =	sne.s32 s30, s17;
	[sflag:s25] =	ssyncset.done $0x0  }
0x75: {  	s2 =	sshrl.u32 @!p0 s14, $0x3;
	s6 =	rddreg [dreg:$0x10];
	[sflag:s25] =	ssyncadd.s32 $0xFFFFD900  }
0x76: {  	[hbm:s6], [sflag:s0] =	dma.local @!p0 [spmem:s2], $0x100  }
.Ltmp2:
0x77: {  	_ = 	snop;
	(pc) =	sbr.rel @p1 .LBB2_1-.Ltmp2, $4  }
0x78: {  	s0 =	simm.s32 @!p0 $0xA  }
0x79: {  	_ =	swait.ge @!p0 [sflag:s0], $0x100  }
0x7a: {  	[sflag:s0] =	ssyncset.done @!p0 $0x0  }
0x7b: {  	[sflag:s0] =	ssyncadd.s32 @!p0 $0xFFFFFF00  }
0x7c: {  	_ =	sfence.sel $0x180000  }
0x7d: {  	[bflag:$0x0] =	sbarrier.arrive $0xFFFF  }
0x7e: {  	_ =	strace $0x90000047  }
0x7f: {  	s0 =	stileid.u32;
	[bflag:$0x2] =	sbarrier.arrive $0xFFFF  }
0x80: {  	p0 =	sne.s32 s0, $0x0;
	s0 =	rddreg [dreg:$0x4]  }
0x81: {  	s0 =	sadd.s32 @!p0 $0x100000, s0  }
0x82: {  	[sflag:s0] =	ssyncadd.tile.s32 @!p0 $0x1;
	_ =	shalt  }
.Lfunc_end2:
_tile_overlayer_lowered:
.L_overlay_start_2:
0x83: {  	(tag) =	ssettag $0x2  }
0x84: {  	s0 =	rddreg [dreg:$0x0];
	s2 =	stileid.u32  }
0x85: {  	s1 =	rddreg [dreg:$0x1];
	p0 =	sne.s32 s2, $0x0  }
0x86: {  	s3 =	rddreg [dreg:$0x2];
	[bflag:$0x3] =	sbarrier.arrive $0xFFFF;
	s2 =	simm.s32 @!p0 $0x1C0A  }
0x87: {  	[timem:s3], [sflag:s2] =	dma.local @!p0 [hbm:s0], s1  }
0x88: {  	s0 =	simm.s32 @!p0 $0xA  }
0x89: {  	_ =	swait.ge @!p0 [sflag:s0], s1  }
0x8a: {  	s1 =	ssub.s32 @!p0 $0x0, s1;
	[sflag:s0] =	ssyncset.done @!p0 $0x0  }
0x8b: {  	[sflag:s0] =	ssyncadd.s32 @!p0 s1  }
0x8c: {  	[bflag:$0x3] =	sbarrier.arrive $0xFFFF  }
0x8d: {  	_ =	shalt  }

</sc_bundles>
